<compile_context>
chip_gen: v7x
topology: tpu7x:2x2x1
jax: 0.10.2.dev20260603
libtpu: 0.0.44.dev20260713+nightly
codegen_flags: <defaults>
</compile_context>

<pallas_src>
import functools

import jax
import jax.numpy as jnp
from jax import lax
from jax.experimental import pallas as pl
from jax.experimental.pallas import tpu as pltpu
from jax.experimental.pallas import tpu_sc as plsc

_NC = 2
_NS = 16
_NW = _NC * _NS
_G = 128


def _sc_degree(dstb, ones8, zrows8, NP, GPW):
    rpt = NP // _NS
    mesh = plsc.VectorSubcoreMesh(core_axis_name="c", subcore_axis_name="s")

    @functools.partial(
        pl.kernel,
        out_type=jax.ShapeDtypeStruct((_NC, NP, 8), jnp.float32),
        mesh=mesh,
        scratch_types=[
            pltpu.VMEM((GPW, _G), jnp.int32),
            pltpu.VMEM((_G, 8), jnp.float32),
            pltpu.VMEM_SHARED((NP, 8), jnp.float32),
        ],
        compiler_params=pltpu.CompilerParams(use_tc_tiling_on_sc=False),
    )
    def deg_kernel(dstb_hbm, ones_hbm, z_hbm, out_hbm, dst_v, ones_v, acc):
        c = lax.axis_index("c")
        s = lax.axis_index("s")
        wid = c * _NS + s
        base = s * rpt
        pltpu.sync_copy(z_hbm, acc.at[pl.ds(base, rpt)])
        pltpu.sync_copy(ones_hbm, ones_v)
        pltpu.sync_copy(dstb_hbm.at[wid], dst_v)
        plsc.subcore_barrier()

        @pl.loop(0, GPW)
        def _(g):
            pltpu.sync_copy(ones_v, acc.at[dst_v.at[g]], add=True)

        plsc.subcore_barrier()
        pltpu.sync_copy(acc.at[pl.ds(base, rpt)],
                        out_hbm.at[c, pl.ds(base, rpt)])

    return deg_kernel(dstb, ones8, zrows8)


def _sc_hop(u, srcb, dstb, zrows, NP, CP, GPW):
    rpt = NP // _NS
    mesh = plsc.VectorSubcoreMesh(core_axis_name="c", subcore_axis_name="s")

    @functools.partial(
        pl.kernel,
        out_type=jax.ShapeDtypeStruct((_NC, NP, CP), jnp.float32),
        mesh=mesh,
        scratch_types=[
            pltpu.VMEM((GPW, _G), jnp.int32),
            pltpu.VMEM((GPW, _G), jnp.int32),
            pltpu.VMEM((4, _G, CP), jnp.float32),
            pltpu.VMEM_SHARED((NP, CP), jnp.float32),
            [pltpu.SemaphoreType.DMA] * 4,
            [pltpu.SemaphoreType.DMA] * 4,
        ],
        compiler_params=pltpu.CompilerParams(use_tc_tiling_on_sc=False),
    )
    def hop_kernel(u_hbm, srcb_hbm, dstb_hbm, z_hbm, out_hbm,
                   src_v, dst_v, rows_v, acc, gs, ss):
        c = lax.axis_index("c")
        s = lax.axis_index("s")
        wid = c * _NS + s
        base = s * rpt
        pltpu.sync_copy(z_hbm, acc.at[pl.ds(base, rpt)])
        pltpu.sync_copy(srcb_hbm.at[wid], src_v)
        pltpu.sync_copy(dstb_hbm.at[wid], dst_v)
        plsc.subcore_barrier()

        def gather(g, buf, sem):
            pltpu.async_copy(u_hbm.at[src_v.at[g]], rows_v.at[buf], sem)

        def gather_wait(g, buf, sem):
            pltpu.make_async_copy(u_hbm.at[src_v.at[g]],
                                  rows_v.at[buf], sem).wait()

        def scatter(g, buf, sem):
            pltpu.async_copy(rows_v.at[buf], acc.at[dst_v.at[g]],
                             sem, add=True)

        def scatter_wait(g, buf, sem):
            pltpu.make_async_copy(rows_v.at[buf], acc.at[dst_v.at[g]],
                                  sem).wait()

        for j in range(4):
            gather(j, j, gs[j])

        @pl.loop(0, GPW // 4)
        def _(h):
            g0 = 4 * h
            for j in range(4):
                gather_wait(g0 + j, j, gs[j])
                scatter(g0 + j, j, ss[j])
            for j in range(4):
                @pl.when(g0 + 4 + j < GPW)
                def _(j=j):
                    scatter_wait(g0 + j, j, ss[j])
                    gather(g0 + 4 + j, j, gs[j])

        for j in range(4):
            scatter_wait(GPW - 4 + j, j, ss[j])
        plsc.subcore_barrier()
        pltpu.sync_copy(acc.at[pl.ds(base, rpt)],
                        out_hbm.at[c, pl.ds(base, rpt)])

    return hop_kernel(u, srcb, dstb, zrows)


def _tc_scale0(degp, xp, W48, NP, D, CP, n_real, BR):
    def body(d_ref, x_ref, w_ref, u_ref, dv_ref):
        i = pl.program_id(0)
        z = jnp.dot(x_ref[...], w_ref[...],
                    preferred_element_type=jnp.float32)
        deg = d_ref[0] + d_ref[1] + 1.0
        row = lax.broadcasted_iota(jnp.int32, (BR, 8), 0) + i * BR
        dinv = jnp.where(row < n_real, lax.rsqrt(deg), 0.0)
        dv_ref[...] = dinv
        u_ref[...] = z * dinv[:, 0:1]

    return pl.pallas_call(
        body,
        grid=(NP // BR,),
        in_specs=[pl.BlockSpec((2, BR, 8), lambda i: (0, i, 0)),
                  pl.BlockSpec((BR, D), lambda i: (i, 0)),
                  pl.BlockSpec((D, CP), lambda i: (0, 0))],
        out_specs=[pl.BlockSpec((BR, CP), lambda i: (i, 0)),
                   pl.BlockSpec((BR, 8), lambda i: (i, 0))],
        out_shape=[jax.ShapeDtypeStruct((NP, CP), jnp.float32),
                   jax.ShapeDtypeStruct((NP, 8), jnp.float32)],
    )(degp, xp, W48)


def _tc_scale1(hp, u0, dinv8, NP, CP, BR):
    def body(h_ref, u_ref, d_ref, o_ref):
        d = d_ref[:, 0:1]
        o_ref[...] = (h_ref[0] + h_ref[1] + u_ref[...]) * (d * d)

    return pl.pallas_call(
        body,
        grid=(NP // BR,),
        in_specs=[pl.BlockSpec((2, BR, CP), lambda i: (0, i, 0)),
                  pl.BlockSpec((BR, CP), lambda i: (i, 0)),
                  pl.BlockSpec((BR, 8), lambda i: (i, 0))],
        out_specs=pl.BlockSpec((BR, CP), lambda i: (i, 0)),
        out_shape=jax.ShapeDtypeStruct((NP, CP), jnp.float32),
    )(hp, u0, dinv8)


def _tc_out(qp, u1, dinv8, b48, NP, N, C, CP, BR):
    def body(q_ref, u_ref, d_ref, b_ref, o_ref):
        t = (q_ref[0] + q_ref[1] + u_ref[...]) * d_ref[:, 0:1]
        o40 = t[:, :C] + b_ref[0:1, :C]
        mx = jnp.max(o40, axis=1, keepdims=True)
        ex = jnp.exp(o40 - mx)
        sm = jnp.sum(ex, axis=1, keepdims=True)
        o_ref[...] = o40 - mx - jnp.log(sm)

    return pl.pallas_call(
        body,
        grid=(N // BR,),
        in_specs=[pl.BlockSpec((2, BR, CP), lambda i: (0, i, 0)),
                  pl.BlockSpec((BR, CP), lambda i: (i, 0)),
                  pl.BlockSpec((BR, 8), lambda i: (i, 0)),
                  pl.BlockSpec((8, CP), lambda i: (0, 0))],
        out_specs=pl.BlockSpec((BR, C), lambda i: (i, 0)),
        out_shape=jax.ShapeDtypeStruct((N, C), jnp.float32),
    )(qp, u1, dinv8, b48)


def kernel(x, edge_index, W, b):
    N, D = x.shape
    C = W.shape[1]
    E = edge_index.shape[1]
    CP = -(-C // 8) * 8
    NP = -(-(N + 1) // (_NS * 8)) * (_NS * 8)
    GPW = -(-E // (_NW * _G))
    GPW += (-GPW) % 8
    EP = GPW * _NW * _G

    src = edge_index[0]
    dst = edge_index[1]
    fill = N + jnp.arange(EP - E, dtype=jnp.int32) % (NP - N)
    srcb = jnp.concatenate([src, fill]).reshape(_NW, GPW, _G)
    dstb = jnp.concatenate([dst, fill]).reshape(_NW, GPW, _G)

    xp = jnp.pad(x, ((0, NP - N), (0, 0)))
    W48 = jnp.pad(W, ((0, 0), (0, CP - C)))
    b48 = jnp.broadcast_to(jnp.pad(b, (0, CP - C))[None, :], (8, CP))
    ones8 = jnp.ones((_G, 8), jnp.float32)
    z8 = jnp.zeros((NP // _NS, 8), jnp.float32)
    zCP = jnp.zeros((NP // _NS, CP), jnp.float32)

    BR = NP // 8
    degp = _sc_degree(dstb, ones8, z8, NP, GPW)
    u0, dinv8 = _tc_scale0(degp, xp, W48, NP, D, CP, N, BR)
    hp = _sc_hop(u0, srcb, dstb, zCP, NP, CP, GPW)
    u1 = _tc_scale1(hp, u0, dinv8, NP, CP, BR)
    qp = _sc_hop(u1, srcb, dstb, zCP, NP, CP, GPW)
    return _tc_out(qp, u1, dinv8, b48, NP, N, C, CP, 400)

# --- scband reference (transcript-rebuilt; emitter-appended) ---
"""Pipeline reference for scband-sgcnode-clf-16020228014933 (READ-ONLY COPY).

The authoritative reference and input builder live on the scoring server;
editing this copy changes nothing except your own understanding.
"""

import jax, jax.numpy as jnp
import numpy as np

N = 10000
E = 320000
D = 128
C = 40
K = 2

def setup_inputs(seed: int = 0) -> dict:
    key = jax.random.key(seed)
    k1, k2, k3 = jax.random.split(key, 3)
    x = jax.random.normal(k1, (N, D), dtype=jnp.float32)
    edge_index = jax.random.randint(k2, (2, E), 0, N, dtype=jnp.int32)
    # Linear layer params of SGConv (in_dim -> num_classes), stored as [D, C] for x @ W
    W = jax.random.normal(k3, (D, C), dtype=jnp.float32) * 0.05
    b = jnp.zeros((C,), dtype=jnp.float32)
    return {"x": x, "edge_index": edge_index, "W": W, "b": b}

def reference(x, edge_index, W, b):
    # SGConv: K-step propagation with GCN-normalized adjacency (self-loops added),
    # then a single linear layer; model wraps it with log_softmax.
    src = edge_index[0]
    dst = edge_index[1]
    loop = jnp.arange(N, dtype=src.dtype)
    src = jnp.concatenate([src, loop])
    dst = jnp.concatenate([dst, loop])
    ew = jnp.ones(src.shape[0], dtype=x.dtype)
    deg = jnp.zeros((N,), dtype=x.dtype).at[dst].add(ew)
    dinv = jnp.where(deg > 0, 1.0 / jnp.sqrt(deg), 0.0)
    norm = dinv[src] * ew * dinv[dst]
    h = x
    for _ in range(K):
        msgs = h[src] * norm[:, None]          # gather + scale (edge-wise)
        h = jax.ops.segment_sum(msgs, dst, num_segments=N)  # scatter-add to dst nodes
    out = h @ W + b
    return jax.nn.log_softmax(out, axis=1)

if __name__ == "__main__":
    import jax
    _d = setup_inputs()
    print(jax.jit(kernel)(*tuple(_d.values())))

</pallas_src>

<mosaic_0001>
#map = affine_map<(d0, d1) -> (0, 0, 0)>
#map1 = affine_map<(d0, d1) -> (0, 0)>
module attributes {stable_mosaic.version = 14 : i64} {
  func.func @deg_kernel(%arg0: i32, %arg1: i32, %arg2: memref<32x80x128xi32, #tpu.memory_space<hbm>>, %arg3: memref<128x8xf32, #tpu.memory_space<hbm>>, %arg4: memref<632x8xf32, #tpu.memory_space<hbm>>, %arg5: memref<2x10112x8xf32, #tpu.memory_space<hbm>>, %arg6: memref<80x128xi32, #tpu.memory_space<vmem>>, %arg7: memref<128x8xf32, #tpu.memory_space<vmem>>, %arg8: memref<10112x8xf32, #tpu.memory_space<vmem_shared>>) attributes {dimension_semantics = [#tpu.dimension_semantics<core_parallel>, #tpu.dimension_semantics<subcore_parallel>], iteration_bounds = array<i64: 2, 16>, scalar_prefetch = 0 : i64, scratch_operands = 3 : i64, tpu.core_type = #tpu.core_type<sc_vector_subcore>, window_params = [{transform_indices = #map}, {transform_indices = #map1}, {transform_indices = #map1}, {transform_indices = #map}]} {
    %mul3A = arith.constant 16 : i32
    %mul3A_0 = arith.muli %arg0, %mul3A : i32
    %add3A = arith.addi %mul3A_0, %arg1 : i32
    %mul3A_1 = arith.constant 632 : i32
    %mul3A_2 = arith.muli %arg1, %mul3A_1 : i32
    "tpu.region"() ({
      %run_scoped3A = tpu.sem_alloc : memref<!tpu.dma_semaphore, #tpu.memory_space<semaphore_mem>>
      %dma_start3A = arith.constant 0 : i32
      %dma_start3A_8 = tpu.memref_slice %arg8[%mul3A_2, %dma_start3A] : memref<10112x8xf32, #tpu.memory_space<vmem_shared>> -> memref<632x8xf32, #tpu.memory_space<vmem_shared>>
      tpu.enqueue_dma source(%arg4 : memref<632x8xf32, #tpu.memory_space<hbm>>) target(%dma_start3A_8 : memref<632x8xf32, #tpu.memory_space<vmem_shared>>) target_semaphore(%run_scoped3A : memref<!tpu.dma_semaphore, #tpu.memory_space<semaphore_mem>>)
      %dma_wait3A = arith.constant 0 : i32
      %dma_wait3A_9 = tpu.memref_slice %arg8[%mul3A_2, %dma_wait3A] : memref<10112x8xf32, #tpu.memory_space<vmem_shared>> -> memref<632x8xf32, #tpu.memory_space<vmem_shared>>
      tpu.wait_dma2 semaphore(%run_scoped3A : memref<!tpu.dma_semaphore, #tpu.memory_space<semaphore_mem>>) src(%arg4 : memref<632x8xf32, #tpu.memory_space<hbm>>) dst(%dma_wait3A_9 : memref<632x8xf32, #tpu.memory_space<vmem_shared>>)
      tpu.yield
    }) : () -> ()
    "tpu.region"() ({
      %run_scoped3A = tpu.sem_alloc : memref<!tpu.dma_semaphore, #tpu.memory_space<semaphore_mem>>
      tpu.enqueue_dma source(%arg3 : memref<128x8xf32, #tpu.memory_space<hbm>>) target(%arg7 : memref<128x8xf32, #tpu.memory_space<vmem>>) target_semaphore(%run_scoped3A : memref<!tpu.dma_semaphore, #tpu.memory_space<semaphore_mem>>)
      tpu.wait_dma2 semaphore(%run_scoped3A : memref<!tpu.dma_semaphore, #tpu.memory_space<semaphore_mem>>) src(%arg3 : memref<128x8xf32, #tpu.memory_space<hbm>>) dst(%arg7 : memref<128x8xf32, #tpu.memory_space<vmem>>)
      tpu.yield
    }) : () -> ()
    "tpu.region"() ({
      %run_scoped3A = tpu.sem_alloc : memref<!tpu.dma_semaphore, #tpu.memory_space<semaphore_mem>>
      %dma_start3A = arith.constant 0 : i32
      %dma_start3A_8 = arith.constant 0 : i32
      %dma_start3A_9 = tpu.memref_slice %arg2[%add3A, %dma_start3A, %dma_start3A_8] : memref<32x80x128xi32, #tpu.memory_space<hbm>> -> memref<1x80x128xi32, #tpu.memory_space<hbm>>
      %dma_start3A_10 = tpu.memref_squeeze %dma_start3A_9 : memref<1x80x128xi32, #tpu.memory_space<hbm>> -> memref<80x128xi32, #tpu.memory_space<hbm>>
      %dma_start3A_11 = arith.constant 0 : i32
      %dma_start3A_12 = arith.constant 0 : i32
      %dma_start3A_13 = tpu.memref_slice %arg2[%add3A, %dma_start3A_11, %dma_start3A_12] : memref<32x80x128xi32, #tpu.memory_space<hbm>> -> memref<1x80x128xi32, #tpu.memory_space<hbm>>
      %dma_start3A_14 = tpu.memref_squeeze %dma_start3A_13 : memref<1x80x128xi32, #tpu.memory_space<hbm>> -> memref<80x128xi32, #tpu.memory_space<hbm>>
      tpu.enqueue_dma source(%dma_start3A_14 : memref<80x128xi32, #tpu.memory_space<hbm>>) target(%arg6 : memref<80x128xi32, #tpu.memory_space<vmem>>) target_semaphore(%run_scoped3A : memref<!tpu.dma_semaphore, #tpu.memory_space<semaphore_mem>>)
      %dma_wait3A = arith.constant 0 : i32
      %dma_wait3A_15 = arith.constant 0 : i32
      %dma_wait3A_16 = tpu.memref_slice %arg2[%add3A, %dma_wait3A, %dma_wait3A_15] : memref<32x80x128xi32, #tpu.memory_space<hbm>> -> memref<1x80x128xi32, #tpu.memory_space<hbm>>
      %dma_wait3A_17 = tpu.memref_squeeze %dma_wait3A_16 : memref<1x80x128xi32, #tpu.memory_space<hbm>> -> memref<80x128xi32, #tpu.memory_space<hbm>>
      %dma_wait3A_18 = arith.constant 0 : i32
      %dma_wait3A_19 = arith.constant 0 : i32
      %dma_wait3A_20 = tpu.memref_slice %arg2[%add3A, %dma_wait3A_18, %dma_wait3A_19] : memref<32x80x128xi32, #tpu.memory_space<hbm>> -> memref<1x80x128xi32, #tpu.memory_space<hbm>>
      %dma_wait3A_21 = tpu.memref_squeeze %dma_wait3A_20 : memref<1x80x128xi32, #tpu.memory_space<hbm>> -> memref<80x128xi32, #tpu.memory_space<hbm>>
      tpu.wait_dma2 semaphore(%run_scoped3A : memref<!tpu.dma_semaphore, #tpu.memory_space<semaphore_mem>>) src(%dma_wait3A_21 : memref<80x128xi32, #tpu.memory_space<hbm>>) dst(%arg6 : memref<80x128xi32, #tpu.memory_space<vmem>>)
      tpu.yield
    }) : () -> ()
    %barrier3A = arith.constant 0 : index
    tpu.barrier barrier_id(%barrier3A)
    %scan3A = arith.constant 0 : i32
    %scan3A_3 = arith.constant 80 : i32
    %scan3A_4 = arith.addi %scan3A, %scan3A_3 : i32
    %scan3A_5 = arith.constant 1 : i32
    scf.for %scan3A_8 = %scan3A to %scan3A_4 step %scan3A_5  : i32 {
      %mul3A_9 = arith.constant 1 : i32
      %mul3A_10 = arith.muli %scan3A_8, %mul3A_9 : i32
      %add3A_11 = arith.constant 0 : i32
      %add3A_12 = arith.addi %add3A_11, %mul3A_10 : i32
      "tpu.region"() ({
        %run_scoped3A = tpu.sem_alloc : memref<!tpu.dma_semaphore, #tpu.memory_space<semaphore_mem>>
        %dma_start3A = arith.constant 0 : i32
        %dma_start3A_13 = tpu.memref_slice %arg6[%add3A_12, %dma_start3A] : memref<80x128xi32, #tpu.memory_space<vmem>> -> memref<1x128xi32, #tpu.memory_space<vmem>>
        %dma_start3A_14 = tpu.memref_squeeze %dma_start3A_13 : memref<1x128xi32, #tpu.memory_space<vmem>> -> memref<128xi32, #tpu.memory_space<vmem>>
        %dma_start3A_15 = arith.constant 0 : i32
        %dma_start3A_16 = arith.constant 0 : i32
        %dma_start3A_17 = tpu.memref_slice %arg8[%dma_start3A_15, %dma_start3A_16] : memref<10112x8xf32, #tpu.memory_space<vmem_shared>> -> memref<10112x8xf32, #tpu.memory_space<vmem_shared>>
        tpu.enqueue_indirect_dma source(%arg7 : memref<128x8xf32, #tpu.memory_space<vmem>>) target(%dma_start3A_17 : memref<10112x8xf32, #tpu.memory_space<vmem_shared>>) offsets(%dma_start3A_14 : memref<128xi32, #tpu.memory_space<vmem>>) semaphore(%run_scoped3A : memref<!tpu.dma_semaphore, #tpu.memory_space<semaphore_mem>>) {add = true}
        %dma_wait3A = arith.constant 0 : i32
        %dma_wait3A_18 = tpu.memref_slice %arg6[%add3A_12, %dma_wait3A] : memref<80x128xi32, #tpu.memory_space<vmem>> -> memref<1x128xi32, #tpu.memory_space<vmem>>
        %dma_wait3A_19 = tpu.memref_squeeze %dma_wait3A_18 : memref<1x128xi32, #tpu.memory_space<vmem>> -> memref<128xi32, #tpu.memory_space<vmem>>
        %dma_wait3A_20 = arith.constant 0 : i32
        %dma_wait3A_21 = arith.constant 0 : i32
        %dma_wait3A_22 = tpu.memref_slice %arg8[%dma_wait3A_20, %dma_wait3A_21] : memref<10112x8xf32, #tpu.memory_space<vmem_shared>> -> memref<10112x8xf32, #tpu.memory_space<vmem_shared>>
        tpu.wait_indirect_dma semaphore(%run_scoped3A : memref<!tpu.dma_semaphore, #tpu.memory_space<semaphore_mem>>) src(%arg7 : memref<128x8xf32, #tpu.memory_space<vmem>>) dst(%dma_wait3A_22 : memref<10112x8xf32, #tpu.memory_space<vmem_shared>>)
        tpu.yield
      }) : () -> ()
    }
    %scan3A_6 = arith.constant 80 : i32
    %barrier3A_7 = arith.constant 0 : index
    tpu.barrier barrier_id(%barrier3A_7)
    "tpu.region"() ({
      %run_scoped3A = tpu.sem_alloc : memref<!tpu.dma_semaphore, #tpu.memory_space<semaphore_mem>>
      %dma_start3A = arith.constant 0 : i32
      %dma_start3A_8 = tpu.memref_slice %arg5[%arg0, %mul3A_2, %dma_start3A] : memref<2x10112x8xf32, #tpu.memory_space<hbm>> -> memref<1x632x8xf32, #tpu.memory_space<hbm>>
      %dma_start3A_9 = tpu.memref_squeeze %dma_start3A_8 : memref<1x632x8xf32, #tpu.memory_space<hbm>> -> memref<632x8xf32, #tpu.memory_space<hbm>>
      %dma_start3A_10 = arith.constant 0 : i32
      %dma_start3A_11 = tpu.memref_slice %arg8[%mul3A_2, %dma_start3A_10] : memref<10112x8xf32, #tpu.memory_space<vmem_shared>> -> memref<632x8xf32, #tpu.memory_space<vmem_shared>>
      tpu.enqueue_dma source(%dma_start3A_11 : memref<632x8xf32, #tpu.memory_space<vmem_shared>>) target(%dma_start3A_9 : memref<632x8xf32, #tpu.memory_space<hbm>>) target_semaphore(%run_scoped3A : memref<!tpu.dma_semaphore, #tpu.memory_space<semaphore_mem>>)
      %dma_wait3A = arith.constant 0 : i32
      %dma_wait3A_12 = tpu.memref_slice %arg5[%arg0, %mul3A_2, %dma_wait3A] : memref<2x10112x8xf32, #tpu.memory_space<hbm>> -> memref<1x632x8xf32, #tpu.memory_space<hbm>>
      %dma_wait3A_13 = tpu.memref_squeeze %dma_wait3A_12 : memref<1x632x8xf32, #tpu.memory_space<hbm>> -> memref<632x8xf32, #tpu.memory_space<hbm>>
      %dma_wait3A_14 = arith.constant 0 : i32
      %dma_wait3A_15 = tpu.memref_slice %arg8[%mul3A_2, %dma_wait3A_14] : memref<10112x8xf32, #tpu.memory_space<vmem_shared>> -> memref<632x8xf32, #tpu.memory_space<vmem_shared>>
      tpu.wait_dma2 semaphore(%run_scoped3A : memref<!tpu.dma_semaphore, #tpu.memory_space<semaphore_mem>>) src(%dma_wait3A_15 : memref<632x8xf32, #tpu.memory_space<vmem_shared>>) dst(%dma_wait3A_13 : memref<632x8xf32, #tpu.memory_space<hbm>>)
      tpu.yield
    }) : () -> ()
    return
  }
}

#map = affine_map<(d0, d1) -> (0, 0)>
#map1 = affine_map<(d0, d1) -> (0, 0, 0)>
module attributes {stable_mosaic.version = 14 : i64} {
  func.func @hop_kernel(%arg0: i32, %arg1: i32, %arg2: memref<10112x40xf32, #tpu.memory_space<hbm>>, %arg3: memref<32x80x128xi32, #tpu.memory_space<hbm>>, %arg4: memref<32x80x128xi32, #tpu.memory_space<hbm>>, %arg5: memref<632x40xf32, #tpu.memory_space<hbm>>, %arg6: memref<2x10112x40xf32, #tpu.memory_space<hbm>>, %arg7: memref<80x128xi32, #tpu.memory_space<vmem>>, %arg8: memref<80x128xi32, #tpu.memory_space<vmem>>, %arg9: memref<4x128x40xf32, #tpu.memory_space<vmem>>, %arg10: memref<10112x40xf32, #tpu.memory_space<vmem_shared>>, %arg11: memref<!tpu.dma_semaphore, #tpu.memory_space<semaphore_mem>>, %arg12: memref<!tpu.dma_semaphore, #tpu.memory_space<semaphore_mem>>, %arg13: memref<!tpu.dma_semaphore, #tpu.memory_space<semaphore_mem>>, %arg14: memref<!tpu.dma_semaphore, #tpu.memory_space<semaphore_mem>>, %arg15: memref<!tpu.dma_semaphore, #tpu.memory_space<semaphore_mem>>, %arg16: memref<!tpu.dma_semaphore, #tpu.memory_space<semaphore_mem>>, %arg17: memref<!tpu.dma_semaphore, #tpu.memory_space<semaphore_mem>>, %arg18: memref<!tpu.dma_semaphore, #tpu.memory_space<semaphore_mem>>) attributes {dimension_semantics = [#tpu.dimension_semantics<core_parallel>, #tpu.dimension_semantics<subcore_parallel>], iteration_bounds = array<i64: 2, 16>, scalar_prefetch = 0 : i64, scratch_operands = 12 : i64, tpu.core_type = #tpu.core_type<sc_vector_subcore>, window_params = [{transform_indices = #map}, {transform_indices = #map1}, {transform_indices = #map1}, {transform_indices = #map}, {transform_indices = #map1}]} {
    %mul3A = arith.constant 16 : i32
    %mul3A_0 = arith.muli %arg0, %mul3A : i32
    %add3A = arith.addi %mul3A_0, %arg1 : i32
    %mul3A_1 = arith.constant 632 : i32
    %mul3A_2 = arith.muli %arg1, %mul3A_1 : i32
    "tpu.region"() ({
      %run_scoped3A = tpu.sem_alloc : memref<!tpu.dma_semaphore, #tpu.memory_space<semaphore_mem>>
      %dma_start3A_102 = arith.constant 0 : i32
      %dma_start3A_103 = tpu.memref_slice %arg10[%mul3A_2, %dma_start3A_102] : memref<10112x40xf32, #tpu.memory_space<vmem_shared>> -> memref<632x40xf32, #tpu.memory_space<vmem_shared>>
      tpu.enqueue_dma source(%arg5 : memref<632x40xf32, #tpu.memory_space<hbm>>) target(%dma_start3A_103 : memref<632x40xf32, #tpu.memory_space<vmem_shared>>) target_semaphore(%run_scoped3A : memref<!tpu.dma_semaphore, #tpu.memory_space<semaphore_mem>>)
      %dma_wait3A_104 = arith.constant 0 : i32
      %dma_wait3A_105 = tpu.memref_slice %arg10[%mul3A_2, %dma_wait3A_104] : memref<10112x40xf32, #tpu.memory_space<vmem_shared>> -> memref<632x40xf32, #tpu.memory_space<vmem_shared>>
      tpu.wait_dma2 semaphore(%run_scoped3A : memref<!tpu.dma_semaphore, #tpu.memory_space<semaphore_mem>>) src(%arg5 : memref<632x40xf32, #tpu.memory_space<hbm>>) dst(%dma_wait3A_105 : memref<632x40xf32, #tpu.memory_space<vmem_shared>>)
      tpu.yield
    }) : () -> ()
    "tpu.region"() ({
      %run_scoped3A = tpu.sem_alloc : memref<!tpu.dma_semaphore, #tpu.memory_space<semaphore_mem>>
      %dma_start3A_102 = arith.constant 0 : i32
      %dma_start3A_103 = arith.constant 0 : i32
      %dma_start3A_104 = tpu.memref_slice %arg3[%add3A, %dma_start3A_102, %dma_start3A_103] : memref<32x80x128xi32, #tpu.memory_space<hbm>> -> memref<1x80x128xi32, #tpu.memory_space<hbm>>
      %dma_start3A_105 = tpu.memref_squeeze %dma_start3A_104 : memref<1x80x128xi32, #tpu.memory_space<hbm>> -> memref<80x128xi32, #tpu.memory_space<hbm>>
      %dma_start3A_106 = arith.constant 0 : i32
      %dma_start3A_107 = arith.constant 0 : i32
      %dma_start3A_108 = tpu.memref_slice %arg3[%add3A, %dma_start3A_106, %dma_start3A_107] : memref<32x80x128xi32, #tpu.memory_space<hbm>> -> memref<1x80x128xi32, #tpu.memory_space<hbm>>
      %dma_start3A_109 = tpu.memref_squeeze %dma_start3A_108 : memref<1x80x128xi32, #tpu.memory_space<hbm>> -> memref<80x128xi32, #tpu.memory_space<hbm>>
      tpu.enqueue_dma source(%dma_start3A_109 : memref<80x128xi32, #tpu.memory_space<hbm>>) target(%arg7 : memref<80x128xi32, #tpu.memory_space<vmem>>) target_semaphore(%run_scoped3A : memref<!tpu.dma_semaphore, #tpu.memory_space<semaphore_mem>>)
      %dma_wait3A_110 = arith.constant 0 : i32
      %dma_wait3A_111 = arith.constant 0 : i32
      %dma_wait3A_112 = tpu.memref_slice %arg3[%add3A, %dma_wait3A_110, %dma_wait3A_111] : memref<32x80x128xi32, #tpu.memory_space<hbm>> -> memref<1x80x128xi32, #tpu.memory_space<hbm>>
      %dma_wait3A_113 = tpu.memref_squeeze %dma_wait3A_112 : memref<1x80x128xi32, #tpu.memory_space<hbm>> -> memref<80x128xi32, #tpu.memory_space<hbm>>
      %dma_wait3A_114 = arith.constant 0 : i32
      %dma_wait3A_115 = arith.constant 0 : i32
      %dma_wait3A_116 = tpu.memref_slice %arg3[%add3A, %dma_wait3A_114, %dma_wait3A_115] : memref<32x80x128xi32, #tpu.memory_space<hbm>> -> memref<1x80x128xi32, #tpu.memory_space<hbm>>
      %dma_wait3A_117 = tpu.memref_squeeze %dma_wait3A_116 : memref<1x80x128xi32, #tpu.memory_space<hbm>> -> memref<80x128xi32, #tpu.memory_space<hbm>>
      tpu.wait_dma2 semaphore(%run_scoped3A : memref<!tpu.dma_semaphore, #tpu.memory_space<semaphore_mem>>) src(%dma_wait3A_117 : memref<80x128xi32, #tpu.memory_space<hbm>>) dst(%arg7 : memref<80x128xi32, #tpu.memory_space<vmem>>)
      tpu.yield
    }) : () -> ()
    "tpu.region"() ({
      %run_scoped3A = tpu.sem_alloc : memref<!tpu.dma_semaphore, #tpu.memory_space<semaphore_mem>>
      %dma_start3A_102 = arith.constant 0 : i32
      %dma_start3A_103 = arith.constant 0 : i32
      %dma_start3A_104 = tpu.memref_slice %arg4[%add3A, %dma_start3A_102, %dma_start3A_103] : memref<32x80x128xi32, #tpu.memory_space<hbm>> -> memref<1x80x128xi32, #tpu.memory_space<hbm>>
      %dma_start3A_105 = tpu.memref_squeeze %dma_start3A_104 : memref<1x80x128xi32, #tpu.memory_space<hbm>> -> memref<80x128xi32, #tpu.memory_space<hbm>>
      %dma_start3A_106 = arith.constant 0 : i32
      %dma_start3A_107 = arith.constant 0 : i32
      %dma_start3A_108 = tpu.memref_slice %arg4[%add3A, %dma_start3A_106, %dma_start3A_107] : memref<32x80x128xi32, #tpu.memory_space<hbm>> -> memref<1x80x128xi32, #tpu.memory_space<hbm>>
      %dma_start3A_109 = tpu.memref_squeeze %dma_start3A_108 : memref<1x80x128xi32, #tpu.memory_space<hbm>> -> memref<80x128xi32, #tpu.memory_space<hbm>>
      tpu.enqueue_dma source(%dma_start3A_109 : memref<80x128xi32, #tpu.memory_space<hbm>>) target(%arg8 : memref<80x128xi32, #tpu.memory_space<vmem>>) target_semaphore(%run_scoped3A : memref<!tpu.dma_semaphore, #tpu.memory_space<semaphore_mem>>)
      %dma_wait3A_110 = arith.constant 0 : i32
      %dma_wait3A_111 = arith.constant 0 : i32
      %dma_wait3A_112 = tpu.memref_slice %arg4[%add3A, %dma_wait3A_110, %dma_wait3A_111] : memref<32x80x128xi32, #tpu.memory_space<hbm>> -> memref<1x80x128xi32, #tpu.memory_space<hbm>>
      %dma_wait3A_113 = tpu.memref_squeeze %dma_wait3A_112 : memref<1x80x128xi32, #tpu.memory_space<hbm>> -> memref<80x128xi32, #tpu.memory_space<hbm>>
      %dma_wait3A_114 = arith.constant 0 : i32
      %dma_wait3A_115 = arith.constant 0 : i32
      %dma_wait3A_116 = tpu.memref_slice %arg4[%add3A, %dma_wait3A_114, %dma_wait3A_115] : memref<32x80x128xi32, #tpu.memory_space<hbm>> -> memref<1x80x128xi32, #tpu.memory_space<hbm>>
      %dma_wait3A_117 = tpu.memref_squeeze %dma_wait3A_116 : memref<1x80x128xi32, #tpu.memory_space<hbm>> -> memref<80x128xi32, #tpu.memory_space<hbm>>
      tpu.wait_dma2 semaphore(%run_scoped3A : memref<!tpu.dma_semaphore, #tpu.memory_space<semaphore_mem>>) src(%dma_wait3A_117 : memref<80x128xi32, #tpu.memory_space<hbm>>) dst(%arg8 : memref<80x128xi32, #tpu.memory_space<vmem>>)
      tpu.yield
    }) : () -> ()
    %barrier3A = arith.constant 0 : index
    tpu.barrier barrier_id(%barrier3A)
    %dma_start3A = arith.constant 0 : i32
    %dma_start3A_3 = arith.constant 0 : i32
    %dma_start3A_4 = arith.constant 0 : i32
    %dma_start3A_5 = arith.constant 0 : i32
    %dma_start3A_6 = tpu.memref_slice %arg9[%dma_start3A_3, %dma_start3A_4, %dma_start3A_5] : memref<4x128x40xf32, #tpu.memory_space<vmem>> -> memref<1x128x40xf32, #tpu.memory_space<vmem>>
    %dma_start3A_7 = tpu.memref_squeeze %dma_start3A_6 : memref<1x128x40xf32, #tpu.memory_space<vmem>> -> memref<128x40xf32, #tpu.memory_space<vmem>>
    %dma_start3A_8 = arith.constant 0 : i32
    %dma_start3A_9 = tpu.memref_slice %arg7[%dma_start3A, %dma_start3A_8] : memref<80x128xi32, #tpu.memory_space<vmem>> -> memref<1x128xi32, #tpu.memory_space<vmem>>
    %dma_start3A_10 = tpu.memref_squeeze %dma_start3A_9 : memref<1x128xi32, #tpu.memory_space<vmem>> -> memref<128xi32, #tpu.memory_space<vmem>>
    %dma_start3A_11 = arith.constant 0 : i32
    %dma_start3A_12 = arith.constant 0 : i32
    %dma_start3A_13 = tpu.memref_slice %arg2[%dma_start3A_11, %dma_start3A_12] : memref<10112x40xf32, #tpu.memory_space<hbm>> -> memref<10112x40xf32, #tpu.memory_space<hbm>>
    tpu.enqueue_indirect_dma source(%dma_start3A_13 : memref<10112x40xf32, #tpu.memory_space<hbm>>) target(%dma_start3A_7 : memref<128x40xf32, #tpu.memory_space<vmem>>) offsets(%dma_start3A_10 : memref<128xi32, #tpu.memory_space<vmem>>) semaphore(%arg11 : memref<!tpu.dma_semaphore, #tpu.memory_space<semaphore_mem>>)
    %dma_start3A_14 = arith.constant 1 : i32
    %dma_start3A_15 = arith.constant 1 : i32
    %dma_start3A_16 = arith.constant 0 : i32
    %dma_start3A_17 = arith.constant 0 : i32
    %dma_start3A_18 = tpu.memref_slice %arg9[%dma_start3A_15, %dma_start3A_16, %dma_start3A_17] : memref<4x128x40xf32, #tpu.memory_space<vmem>> -> memref<1x128x40xf32, #tpu.memory_space<vmem>>
    %dma_start3A_19 = tpu.memref_squeeze %dma_start3A_18 : memref<1x128x40xf32, #tpu.memory_space<vmem>> -> memref<128x40xf32, #tpu.memory_space<vmem>>
    %dma_start3A_20 = arith.constant 0 : i32
    %dma_start3A_21 = tpu.memref_slice %arg7[%dma_start3A_14, %dma_start3A_20] : memref<80x128xi32, #tpu.memory_space<vmem>> -> memref<1x128xi32, #tpu.memory_space<vmem>>
    %dma_start3A_22 = tpu.memref_squeeze %dma_start3A_21 : memref<1x128xi32, #tpu.memory_space<vmem>> -> memref<128xi32, #tpu.memory_space<vmem>>
    %dma_start3A_23 = arith.constant 0 : i32
    %dma_start3A_24 = arith.constant 0 : i32
    %dma_start3A_25 = tpu.memref_slice %arg2[%dma_start3A_23, %dma_start3A_24] : memref<10112x40xf32, #tpu.memory_space<hbm>> -> memref<10112x40xf32, #tpu.memory_space<hbm>>
    tpu.enqueue_indirect_dma source(%dma_start3A_25 : memref<10112x40xf32, #tpu.memory_space<hbm>>) target(%dma_start3A_19 : memref<128x40xf32, #tpu.memory_space<vmem>>) offsets(%dma_start3A_22 : memref<128xi32, #tpu.memory_space<vmem>>) semaphore(%arg12 : memref<!tpu.dma_semaphore, #tpu.memory_space<semaphore_mem>>)
    %dma_start3A_26 = arith.constant 2 : i32
    %dma_start3A_27 = arith.constant 2 : i32
    %dma_start3A_28 = arith.constant 0 : i32
    %dma_start3A_29 = arith.constant 0 : i32
    %dma_start3A_30 = tpu.memref_slice %arg9[%dma_start3A_27, %dma_start3A_28, %dma_start3A_29] : memref<4x128x40xf32, #tpu.memory_space<vmem>> -> memref<1x128x40xf32, #tpu.memory_space<vmem>>
    %dma_start3A_31 = tpu.memref_squeeze %dma_start3A_30 : memref<1x128x40xf32, #tpu.memory_space<vmem>> -> memref<128x40xf32, #tpu.memory_space<vmem>>
    %dma_start3A_32 = arith.constant 0 : i32
    %dma_start3A_33 = tpu.memref_slice %arg7[%dma_start3A_26, %dma_start3A_32] : memref<80x128xi32, #tpu.memory_space<vmem>> -> memref<1x128xi32, #tpu.memory_space<vmem>>
    %dma_start3A_34 = tpu.memref_squeeze %dma_start3A_33 : memref<1x128xi32, #tpu.memory_space<vmem>> -> memref<128xi32, #tpu.memory_space<vmem>>
    %dma_start3A_35 = arith.constant 0 : i32
    %dma_start3A_36 = arith.constant 0 : i32
    %dma_start3A_37 = tpu.memref_slice %arg2[%dma_start3A_35, %dma_start3A_36] : memref<10112x40xf32, #tpu.memory_space<hbm>> -> memref<10112x40xf32, #tpu.memory_space<hbm>>
    tpu.enqueue_indirect_dma source(%dma_start3A_37 : memref<10112x40xf32, #tpu.memory_space<hbm>>) target(%dma_start3A_31 : memref<128x40xf32, #tpu.memory_space<vmem>>) offsets(%dma_start3A_34 : memref<128xi32, #tpu.memory_space<vmem>>) semaphore(%arg13 : memref<!tpu.dma_semaphore, #tpu.memory_space<semaphore_mem>>)
    %dma_start3A_38 = arith.constant 3 : i32
    %dma_start3A_39 = arith.constant 3 : i32
    %dma_start3A_40 = arith.constant 0 : i32
    %dma_start3A_41 = arith.constant 0 : i32
    %dma_start3A_42 = tpu.memref_slice %arg9[%dma_start3A_39, %dma_start3A_40, %dma_start3A_41] : memref<4x128x40xf32, #tpu.memory_space<vmem>> -> memref<1x128x40xf32, #tpu.memory_space<vmem>>
    %dma_start3A_43 = tpu.memref_squeeze %dma_start3A_42 : memref<1x128x40xf32, #tpu.memory_space<vmem>> -> memref<128x40xf32, #tpu.memory_space<vmem>>
    %dma_start3A_44 = arith.constant 0 : i32
    %dma_start3A_45 = tpu.memref_slice %arg7[%dma_start3A_38, %dma_start3A_44] : memref<80x128xi32, #tpu.memory_space<vmem>> -> memref<1x128xi32, #tpu.memory_space<vmem>>
    %dma_start3A_46 = tpu.memref_squeeze %dma_start3A_45 : memref<1x128xi32, #tpu.memory_space<vmem>> -> memref<128xi32, #tpu.memory_space<vmem>>
    %dma_start3A_47 = arith.constant 0 : i32
    %dma_start3A_48 = arith.constant 0 : i32
    %dma_start3A_49 = tpu.memref_slice %arg2[%dma_start3A_47, %dma_start3A_48] : memref<10112x40xf32, #tpu.memory_space<hbm>> -> memref<10112x40xf32, #tpu.memory_space<hbm>>
    tpu.enqueue_indirect_dma source(%dma_start3A_49 : memref<10112x40xf32, #tpu.memory_space<hbm>>) target(%dma_start3A_43 : memref<128x40xf32, #tpu.memory_space<vmem>>) offsets(%dma_start3A_46 : memref<128xi32, #tpu.memory_space<vmem>>) semaphore(%arg14 : memref<!tpu.dma_semaphore, #tpu.memory_space<semaphore_mem>>)
    %scan3A = arith.constant 0 : i32
    %scan3A_50 = arith.constant 20 : i32
    %scan3A_51 = arith.addi %scan3A, %scan3A_50 : i32
    %scan3A_52 = arith.constant 1 : i32
    scf.for %scan3A_102 = %scan3A to %scan3A_51 step %scan3A_52  : i32 {
      %mul3A_103 = arith.constant 1 : i32
      %mul3A_104 = arith.muli %scan3A_102, %mul3A_103 : i32
      %add3A_105 = arith.constant 0 : i32
      %add3A_106 = arith.addi %add3A_105, %mul3A_104 : i32
      %mul3A_107 = arith.constant 4 : i32
      %mul3A_108 = arith.muli %mul3A_107, %add3A_106 : i32
      %add3A_109 = arith.constant 0 : i32
      %add3A_110 = arith.addi %mul3A_108, %add3A_109 : i32
      %dma_wait3A_111 = arith.constant 0 : i32
      %dma_wait3A_112 = arith.constant 0 : i32
      %dma_wait3A_113 = arith.constant 0 : i32
      %dma_wait3A_114 = tpu.memref_slice %arg9[%dma_wait3A_111, %dma_wait3A_112, %dma_wait3A_113] : memref<4x128x40xf32, #tpu.memory_space<vmem>> -> memref<1x128x40xf32, #tpu.memory_space<vmem>>
      %dma_wait3A_115 = tpu.memref_squeeze %dma_wait3A_114 : memref<1x128x40xf32, #tpu.memory_space<vmem>> -> memref<128x40xf32, #tpu.memory_space<vmem>>
      %dma_wait3A_116 = arith.constant 0 : i32
      %dma_wait3A_117 = tpu.memref_slice %arg7[%add3A_110, %dma_wait3A_116] : memref<80x128xi32, #tpu.memory_space<vmem>> -> memref<1x128xi32, #tpu.memory_space<vmem>>
      %dma_wait3A_118 = tpu.memref_squeeze %dma_wait3A_117 : memref<1x128xi32, #tpu.memory_space<vmem>> -> memref<128xi32, #tpu.memory_space<vmem>>
      %dma_wait3A_119 = arith.constant 0 : i32
      %dma_wait3A_120 = arith.constant 0 : i32
      %dma_wait3A_121 = tpu.memref_slice %arg2[%dma_wait3A_119, %dma_wait3A_120] : memref<10112x40xf32, #tpu.memory_space<hbm>> -> memref<10112x40xf32, #tpu.memory_space<hbm>>
      tpu.wait_indirect_dma semaphore(%arg11 : memref<!tpu.dma_semaphore, #tpu.memory_space<semaphore_mem>>) src(%dma_wait3A_121 : memref<10112x40xf32, #tpu.memory_space<hbm>>) dst(%dma_wait3A_115 : memref<128x40xf32, #tpu.memory_space<vmem>>)
      %add3A_122 = arith.constant 0 : i32
      %add3A_123 = arith.addi %mul3A_108, %add3A_122 : i32
      %dma_start3A_124 = arith.constant 0 : i32
      %dma_start3A_125 = arith.constant 0 : i32
      %dma_start3A_126 = arith.constant 0 : i32
      %dma_start3A_127 = tpu.memref_slice %arg9[%dma_start3A_124, %dma_start3A_125, %dma_start3A_126] : memref<4x128x40xf32, #tpu.memory_space<vmem>> -> memref<1x128x40xf32, #tpu.memory_space<vmem>>
      %dma_start3A_128 = tpu.memref_squeeze %dma_start3A_127 : memref<1x128x40xf32, #tpu.memory_space<vmem>> -> memref<128x40xf32, #tpu.memory_space<vmem>>
      %dma_start3A_129 = arith.constant 0 : i32
      %dma_start3A_130 = tpu.memref_slice %arg8[%add3A_123, %dma_start3A_129] : memref<80x128xi32, #tpu.memory_space<vmem>> -> memref<1x128xi32, #tpu.memory_space<vmem>>
      %dma_start3A_131 = tpu.memref_squeeze %dma_start3A_130 : memref<1x128xi32, #tpu.memory_space<vmem>> -> memref<128xi32, #tpu.memory_space<vmem>>
      %dma_start3A_132 = arith.constant 0 : i32
      %dma_start3A_133 = arith.constant 0 : i32
      %dma_start3A_134 = tpu.memref_slice %arg10[%dma_start3A_132, %dma_start3A_133] : memref<10112x40xf32, #tpu.memory_space<vmem_shared>> -> memref<10112x40xf32, #tpu.memory_space<vmem_shared>>
      tpu.enqueue_indirect_dma source(%dma_start3A_128 : memref<128x40xf32, #tpu.memory_space<vmem>>) target(%dma_start3A_134 : memref<10112x40xf32, #tpu.memory_space<vmem_shared>>) offsets(%dma_start3A_131 : memref<128xi32, #tpu.memory_space<vmem>>) semaphore(%arg15 : memref<!tpu.dma_semaphore, #tpu.memory_space<semaphore_mem>>) {add = true}
      %add3A_135 = arith.constant 1 : i32
      %add3A_136 = arith.addi %mul3A_108, %add3A_135 : i32
      %dma_wait3A_137 = arith.constant 1 : i32
      %dma_wait3A_138 = arith.constant 0 : i32
      %dma_wait3A_139 = arith.constant 0 : i32
      %dma_wait3A_140 = tpu.memref_slice %arg9[%dma_wait3A_137, %dma_wait3A_138, %dma_wait3A_139] : memref<4x128x40xf32, #tpu.memory_space<vmem>> -> memref<1x128x40xf32, #tpu.memory_space<vmem>>
      %dma_wait3A_141 = tpu.memref_squeeze %dma_wait3A_140 : memref<1x128x40xf32, #tpu.memory_space<vmem>> -> memref<128x40xf32, #tpu.memory_space<vmem>>
      %dma_wait3A_142 = arith.constant 0 : i32
      %dma_wait3A_143 = tpu.memref_slice %arg7[%add3A_136, %dma_wait3A_142] : memref<80x128xi32, #tpu.memory_space<vmem>> -> memref<1x128xi32, #tpu.memory_space<vmem>>
      %dma_wait3A_144 = tpu.memref_squeeze %dma_wait3A_143 : memref<1x128xi32, #tpu.memory_space<vmem>> -> memref<128xi32, #tpu.memory_space<vmem>>
      %dma_wait3A_145 = arith.constant 0 : i32
      %dma_wait3A_146 = arith.constant 0 : i32
      %dma_wait3A_147 = tpu.memref_slice %arg2[%dma_wait3A_145, %dma_wait3A_146] : memref<10112x40xf32, #tpu.memory_space<hbm>> -> memref<10112x40xf32, #tpu.memory_space<hbm>>
      tpu.wait_indirect_dma semaphore(%arg12 : memref<!tpu.dma_semaphore, #tpu.memory_space<semaphore_mem>>) src(%dma_wait3A_147 : memref<10112x40xf32, #tpu.memory_space<hbm>>) dst(%dma_wait3A_141 : memref<128x40xf32, #tpu.memory_space<vmem>>)
      %add3A_148 = arith.constant 1 : i32
      %add3A_149 = arith.addi %mul3A_108, %add3A_148 : i32
      %dma_start3A_150 = arith.constant 1 : i32
      %dma_start3A_151 = arith.constant 0 : i32
      %dma_start3A_152 = arith.constant 0 : i32
      %dma_start3A_153 = tpu.memref_slice %arg9[%dma_start3A_150, %dma_start3A_151, %dma_start3A_152] : memref<4x128x40xf32, #tpu.memory_space<vmem>> -> memref<1x128x40xf32, #tpu.memory_space<vmem>>
      %dma_start3A_154 = tpu.memref_squeeze %dma_start3A_153 : memref<1x128x40xf32, #tpu.memory_space<vmem>> -> memref<128x40xf32, #tpu.memory_space<vmem>>
      %dma_start3A_155 = arith.constant 0 : i32
      %dma_start3A_156 = tpu.memref_slice %arg8[%add3A_149, %dma_start3A_155] : memref<80x128xi32, #tpu.memory_space<vmem>> -> memref<1x128xi32, #tpu.memory_space<vmem>>
      %dma_start3A_157 = tpu.memref_squeeze %dma_start3A_156 : memref<1x128xi32, #tpu.memory_space<vmem>> -> memref<128xi32, #tpu.memory_space<vmem>>
      %dma_start3A_158 = arith.constant 0 : i32
      %dma_start3A_159 = arith.constant 0 : i32
      %dma_start3A_160 = tpu.memref_slice %arg10[%dma_start3A_158, %dma_start3A_159] : memref<10112x40xf32, #tpu.memory_space<vmem_shared>> -> memref<10112x40xf32, #tpu.memory_space<vmem_shared>>
      tpu.enqueue_indirect_dma source(%dma_start3A_154 : memref<128x40xf32, #tpu.memory_space<vmem>>) target(%dma_start3A_160 : memref<10112x40xf32, #tpu.memory_space<vmem_shared>>) offsets(%dma_start3A_157 : memref<128xi32, #tpu.memory_space<vmem>>) semaphore(%arg16 : memref<!tpu.dma_semaphore, #tpu.memory_space<semaphore_mem>>) {add = true}
      %add3A_161 = arith.constant 2 : i32
      %add3A_162 = arith.addi %mul3A_108, %add3A_161 : i32
      %dma_wait3A_163 = arith.constant 2 : i32
      %dma_wait3A_164 = arith.constant 0 : i32
      %dma_wait3A_165 = arith.constant 0 : i32
      %dma_wait3A_166 = tpu.memref_slice %arg9[%dma_wait3A_163, %dma_wait3A_164, %dma_wait3A_165] : memref<4x128x40xf32, #tpu.memory_space<vmem>> -> memref<1x128x40xf32, #tpu.memory_space<vmem>>
      %dma_wait3A_167 = tpu.memref_squeeze %dma_wait3A_166 : memref<1x128x40xf32, #tpu.memory_space<vmem>> -> memref<128x40xf32, #tpu.memory_space<vmem>>
      %dma_wait3A_168 = arith.constant 0 : i32
      %dma_wait3A_169 = tpu.memref_slice %arg7[%add3A_162, %dma_wait3A_168] : memref<80x128xi32, #tpu.memory_space<vmem>> -> memref<1x128xi32, #tpu.memory_space<vmem>>
      %dma_wait3A_170 = tpu.memref_squeeze %dma_wait3A_169 : memref<1x128xi32, #tpu.memory_space<vmem>> -> memref<128xi32, #tpu.memory_space<vmem>>
      %dma_wait3A_171 = arith.constant 0 : i32
      %dma_wait3A_172 = arith.constant 0 : i32
      %dma_wait3A_173 = tpu.memref_slice %arg2[%dma_wait3A_171, %dma_wait3A_172] : memref<10112x40xf32, #tpu.memory_space<hbm>> -> memref<10112x40xf32, #tpu.memory_space<hbm>>
      tpu.wait_indirect_dma semaphore(%arg13 : memref<!tpu.dma_semaphore, #tpu.memory_space<semaphore_mem>>) src(%dma_wait3A_173 : memref<10112x40xf32, #tpu.memory_space<hbm>>) dst(%dma_wait3A_167 : memref<128x40xf32, #tpu.memory_space<vmem>>)
      %add3A_174 = arith.constant 2 : i32
      %add3A_175 = arith.addi %mul3A_108, %add3A_174 : i32
      %dma_start3A_176 = arith.constant 2 : i32
      %dma_start3A_177 = arith.constant 0 : i32
      %dma_start3A_178 = arith.constant 0 : i32
      %dma_start3A_179 = tpu.memref_slice %arg9[%dma_start3A_176, %dma_start3A_177, %dma_start3A_178] : memref<4x128x40xf32, #tpu.memory_space<vmem>> -> memref<1x128x40xf32, #tpu.memory_space<vmem>>
      %dma_start3A_180 = tpu.memref_squeeze %dma_start3A_179 : memref<1x128x40xf32, #tpu.memory_space<vmem>> -> memref<128x40xf32, #tpu.memory_space<vmem>>
      %dma_start3A_181 = arith.constant 0 : i32
      %dma_start3A_182 = tpu.memref_slice %arg8[%add3A_175, %dma_start3A_181] : memref<80x128xi32, #tpu.memory_space<vmem>> -> memref<1x128xi32, #tpu.memory_space<vmem>>
      %dma_start3A_183 = tpu.memref_squeeze %dma_start3A_182 : memref<1x128xi32, #tpu.memory_space<vmem>> -> memref<128xi32, #tpu.memory_space<vmem>>
      %dma_start3A_184 = arith.constant 0 : i32
      %dma_start3A_185 = arith.constant 0 : i32
      %dma_start3A_186 = tpu.memref_slice %arg10[%dma_start3A_184, %dma_start3A_185] : memref<10112x40xf32, #tpu.memory_space<vmem_shared>> -> memref<10112x40xf32, #tpu.memory_space<vmem_shared>>
      tpu.enqueue_indirect_dma source(%dma_start3A_180 : memref<128x40xf32, #tpu.memory_space<vmem>>) target(%dma_start3A_186 : memref<10112x40xf32, #tpu.memory_space<vmem_shared>>) offsets(%dma_start3A_183 : memref<128xi32, #tpu.memory_space<vmem>>) semaphore(%arg17 : memref<!tpu.dma_semaphore, #tpu.memory_space<semaphore_mem>>) {add = true}
      %add3A_187 = arith.constant 3 : i32
      %add3A_188 = arith.addi %mul3A_108, %add3A_187 : i32
      %dma_wait3A_189 = arith.constant 3 : i32
      %dma_wait3A_190 = arith.constant 0 : i32
      %dma_wait3A_191 = arith.constant 0 : i32
      %dma_wait3A_192 = tpu.memref_slice %arg9[%dma_wait3A_189, %dma_wait3A_190, %dma_wait3A_191] : memref<4x128x40xf32, #tpu.memory_space<vmem>> -> memref<1x128x40xf32, #tpu.memory_space<vmem>>
      %dma_wait3A_193 = tpu.memref_squeeze %dma_wait3A_192 : memref<1x128x40xf32, #tpu.memory_space<vmem>> -> memref<128x40xf32, #tpu.memory_space<vmem>>
      %dma_wait3A_194 = arith.constant 0 : i32
      %dma_wait3A_195 = tpu.memref_slice %arg7[%add3A_188, %dma_wait3A_194] : memref<80x128xi32, #tpu.memory_space<vmem>> -> memref<1x128xi32, #tpu.memory_space<vmem>>
      %dma_wait3A_196 = tpu.memref_squeeze %dma_wait3A_195 : memref<1x128xi32, #tpu.memory_space<vmem>> -> memref<128xi32, #tpu.memory_space<vmem>>
      %dma_wait3A_197 = arith.constant 0 : i32
      %dma_wait3A_198 = arith.constant 0 : i32
      %dma_wait3A_199 = tpu.memref_slice %arg2[%dma_wait3A_197, %dma_wait3A_198] : memref<10112x40xf32, #tpu.memory_space<hbm>> -> memref<10112x40xf32, #tpu.memory_space<hbm>>
      tpu.wait_indirect_dma semaphore(%arg14 : memref<!tpu.dma_semaphore, #tpu.memory_space<semaphore_mem>>) src(%dma_wait3A_199 : memref<10112x40xf32, #tpu.memory_space<hbm>>) dst(%dma_wait3A_193 : memref<128x40xf32, #tpu.memory_space<vmem>>)
      %add3A_200 = arith.constant 3 : i32
      %add3A_201 = arith.addi %mul3A_108, %add3A_200 : i32
      %dma_start3A_202 = arith.constant 3 : i32
      %dma_start3A_203 = arith.constant 0 : i32
      %dma_start3A_204 = arith.constant 0 : i32
      %dma_start3A_205 = tpu.memref_slice %arg9[%dma_start3A_202, %dma_start3A_203, %dma_start3A_204] : memref<4x128x40xf32, #tpu.memory_space<vmem>> -> memref<1x128x40xf32, #tpu.memory_space<vmem>>
      %dma_start3A_206 = tpu.memref_squeeze %dma_start3A_205 : memref<1x128x40xf32, #tpu.memory_space<vmem>> -> memref<128x40xf32, #tpu.memory_space<vmem>>
      %dma_start3A_207 = arith.constant 0 : i32
      %dma_start3A_208 = tpu.memref_slice %arg8[%add3A_201, %dma_start3A_207] : memref<80x128xi32, #tpu.memory_space<vmem>> -> memref<1x128xi32, #tpu.memory_space<vmem>>
      %dma_start3A_209 = tpu.memref_squeeze %dma_start3A_208 : memref<1x128xi32, #tpu.memory_space<vmem>> -> memref<128xi32, #tpu.memory_space<vmem>>
      %dma_start3A_210 = arith.constant 0 : i32
      %dma_start3A_211 = arith.constant 0 : i32
      %dma_start3A_212 = tpu.memref_slice %arg10[%dma_start3A_210, %dma_start3A_211] : memref<10112x40xf32, #tpu.memory_space<vmem_shared>> -> memref<10112x40xf32, #tpu.memory_space<vmem_shared>>
      tpu.enqueue_indirect_dma source(%dma_start3A_206 : memref<128x40xf32, #tpu.memory_space<vmem>>) target(%dma_start3A_212 : memref<10112x40xf32, #tpu.memory_space<vmem_shared>>) offsets(%dma_start3A_209 : memref<128xi32, #tpu.memory_space<vmem>>) semaphore(%arg18 : memref<!tpu.dma_semaphore, #tpu.memory_space<semaphore_mem>>) {add = true}
      %add3A_213 = arith.constant 4 : i32
      %add3A_214 = arith.addi %mul3A_108, %add3A_213 : i32
      %add3A_215 = arith.constant 0 : i32
      %add3A_216 = arith.addi %add3A_214, %add3A_215 : i32
      %lt3A = arith.constant 80 : i32
      %lt3A_217 = arith.cmpi slt, %add3A_216, %lt3A : i32
      %convert_element_type3A = arith.extui %lt3A_217 : i1 to i32
      %cond3A = arith.constant 0 : i32
      %cond3A_218 = arith.cmpi ne, %convert_element_type3A, %cond3A : i32
      scf.if %cond3A_218 {
        %add3A_246 = arith.constant 0 : i32
        %add3A_247 = arith.addi %mul3A_108, %add3A_246 : i32
        %dma_wait3A_248 = arith.constant 0 : i32
        %dma_wait3A_249 = arith.constant 0 : i32
        %dma_wait3A_250 = arith.constant 0 : i32
        %dma_wait3A_251 = tpu.memref_slice %arg9[%dma_wait3A_248, %dma_wait3A_249, %dma_wait3A_250] : memref<4x128x40xf32, #tpu.memory_space<vmem>> -> memref<1x128x40xf32, #tpu.memory_space<vmem>>
        %dma_wait3A_252 = tpu.memref_squeeze %dma_wait3A_251 : memref<1x128x40xf32, #tpu.memory_space<vmem>> -> memref<128x40xf32, #tpu.memory_space<vmem>>
        %dma_wait3A_253 = arith.constant 0 : i32
        %dma_wait3A_254 = tpu.memref_slice %arg8[%add3A_247, %dma_wait3A_253] : memref<80x128xi32, #tpu.memory_space<vmem>> -> memref<1x128xi32, #tpu.memory_space<vmem>>
        %dma_wait3A_255 = tpu.memref_squeeze %dma_wait3A_254 : memref<1x128xi32, #tpu.memory_space<vmem>> -> memref<128xi32, #tpu.memory_space<vmem>>
        %dma_wait3A_256 = arith.constant 0 : i32
        %dma_wait3A_257 = arith.constant 0 : i32
        %dma_wait3A_258 = tpu.memref_slice %arg10[%dma_wait3A_256, %dma_wait3A_257] : memref<10112x40xf32, #tpu.memory_space<vmem_shared>> -> memref<10112x40xf32, #tpu.memory_space<vmem_shared>>
        tpu.wait_indirect_dma semaphore(%arg15 : memref<!tpu.dma_semaphore, #tpu.memory_space<semaphore_mem>>) src(%dma_wait3A_252 : memref<128x40xf32, #tpu.memory_space<vmem>>) dst(%dma_wait3A_258 : memref<10112x40xf32, #tpu.memory_space<vmem_shared>>)
        %add3A_259 = arith.constant 4 : i32
        %add3A_260 = arith.addi %mul3A_108, %add3A_259 : i32
        %add3A_261 = arith.constant 0 : i32
        %add3A_262 = arith.addi %add3A_260, %add3A_261 : i32
        %dma_start3A_263 = arith.constant 0 : i32
        %dma_start3A_264 = arith.constant 0 : i32
        %dma_start3A_265 = arith.constant 0 : i32
        %dma_start3A_266 = tpu.memref_slice %arg9[%dma_start3A_263, %dma_start3A_264, %dma_start3A_265] : memref<4x128x40xf32, #tpu.memory_space<vmem>> -> memref<1x128x40xf32, #tpu.memory_space<vmem>>
        %dma_start3A_267 = tpu.memref_squeeze %dma_start3A_266 : memref<1x128x40xf32, #tpu.memory_space<vmem>> -> memref<128x40xf32, #tpu.memory_space<vmem>>
        %dma_start3A_268 = arith.constant 0 : i32
        %dma_start3A_269 = tpu.memref_slice %arg7[%add3A_262, %dma_start3A_268] : memref<80x128xi32, #tpu.memory_space<vmem>> -> memref<1x128xi32, #tpu.memory_space<vmem>>
        %dma_start3A_270 = tpu.memref_squeeze %dma_start3A_269 : memref<1x128xi32, #tpu.memory_space<vmem>> -> memref<128xi32, #tpu.memory_space<vmem>>
        %dma_start3A_271 = arith.constant 0 : i32
        %dma_start3A_272 = arith.constant 0 : i32
        %dma_start3A_273 = tpu.memref_slice %arg2[%dma_start3A_271, %dma_start3A_272] : memref<10112x40xf32, #tpu.memory_space<hbm>> -> memref<10112x40xf32, #tpu.memory_space<hbm>>
        tpu.enqueue_indirect_dma source(%dma_start3A_273 : memref<10112x40xf32, #tpu.memory_space<hbm>>) target(%dma_start3A_267 : memref<128x40xf32, #tpu.memory_space<vmem>>) offsets(%dma_start3A_270 : memref<128xi32, #tpu.memory_space<vmem>>) semaphore(%arg11 : memref<!tpu.dma_semaphore, #tpu.memory_space<semaphore_mem>>)
      } else {
      }
      %add3A_219 = arith.constant 4 : i32
      %add3A_220 = arith.addi %mul3A_108, %add3A_219 : i32
      %add3A_221 = arith.constant 1 : i32
      %add3A_222 = arith.addi %add3A_220, %add3A_221 : i32
      %lt3A_223 = arith.constant 80 : i32
      %lt3A_224 = arith.cmpi slt, %add3A_222, %lt3A_223 : i32
      %convert_element_type3A_225 = arith.extui %lt3A_224 : i1 to i32
      %cond3A_226 = arith.constant 0 : i32
      %cond3A_227 = arith.cmpi ne, %convert_element_type3A_225, %cond3A_226 : i32
      scf.if %cond3A_227 {
        %add3A_246 = arith.constant 1 : i32
        %add3A_247 = arith.addi %mul3A_108, %add3A_246 : i32
        %dma_wait3A_248 = arith.constant 1 : i32
        %dma_wait3A_249 = arith.constant 0 : i32
        %dma_wait3A_250 = arith.constant 0 : i32
        %dma_wait3A_251 = tpu.memref_slice %arg9[%dma_wait3A_248, %dma_wait3A_249, %dma_wait3A_250] : memref<4x128x40xf32, #tpu.memory_space<vmem>> -> memref<1x128x40xf32, #tpu.memory_space<vmem>>
        %dma_wait3A_252 = tpu.memref_squeeze %dma_wait3A_251 : memref<1x128x40xf32, #tpu.memory_space<vmem>> -> memref<128x40xf32, #tpu.memory_space<vmem>>
        %dma_wait3A_253 = arith.constant 0 : i32
        %dma_wait3A_254 = tpu.memref_slice %arg8[%add3A_247, %dma_wait3A_253] : memref<80x128xi32, #tpu.memory_space<vmem>> -> memref<1x128xi32, #tpu.memory_space<vmem>>
        %dma_wait3A_255 = tpu.memref_squeeze %dma_wait3A_254 : memref<1x128xi32, #tpu.memory_space<vmem>> -> memref<128xi32, #tpu.memory_space<vmem>>
        %dma_wait3A_256 = arith.constant 0 : i32
        %dma_wait3A_257 = arith.constant 0 : i32
        %dma_wait3A_258 = tpu.memref_slice %arg10[%dma_wait3A_256, %dma_wait3A_257] : memref<10112x40xf32, #tpu.memory_space<vmem_shared>> -> memref<10112x40xf32, #tpu.memory_space<vmem_shared>>
        tpu.wait_indirect_dma semaphore(%arg16 : memref<!tpu.dma_semaphore, #tpu.memory_space<semaphore_mem>>) src(%dma_wait3A_252 : memref<128x40xf32, #tpu.memory_space<vmem>>) dst(%dma_wait3A_258 : memref<10112x40xf32, #tpu.memory_space<vmem_shared>>)
        %add3A_259 = arith.constant 4 : i32
        %add3A_260 = arith.addi %mul3A_108, %add3A_259 : i32
        %add3A_261 = arith.constant 1 : i32
        %add3A_262 = arith.addi %add3A_260, %add3A_261 : i32
        %dma_start3A_263 = arith.constant 1 : i32
        %dma_start3A_264 = arith.constant 0 : i32
        %dma_start3A_265 = arith.constant 0 : i32
        %dma_start3A_266 = tpu.memref_slice %arg9[%dma_start3A_263, %dma_start3A_264, %dma_start3A_265] : memref<4x128x40xf32, #tpu.memory_space<vmem>> -> memref<1x128x40xf32, #tpu.memory_space<vmem>>
        %dma_start3A_267 = tpu.memref_squeeze %dma_start3A_266 : memref<1x128x40xf32, #tpu.memory_space<vmem>> -> memref<128x40xf32, #tpu.memory_space<vmem>>
        %dma_start3A_268 = arith.constant 0 : i32
        %dma_start3A_269 = tpu.memref_slice %arg7[%add3A_262, %dma_start3A_268] : memref<80x128xi32, #tpu.memory_space<vmem>> -> memref<1x128xi32, #tpu.memory_space<vmem>>
        %dma_start3A_270 = tpu.memref_squeeze %dma_start3A_269 : memref<1x128xi32, #tpu.memory_space<vmem>> -> memref<128xi32, #tpu.memory_space<vmem>>
        %dma_start3A_271 = arith.constant 0 : i32
        %dma_start3A_272 = arith.constant 0 : i32
        %dma_start3A_273 = tpu.memref_slice %arg2[%dma_start3A_271, %dma_start3A_272] : memref<10112x40xf32, #tpu.memory_space<hbm>> -> memref<10112x40xf32, #tpu.memory_space<hbm>>
        tpu.enqueue_indirect_dma source(%dma_start3A_273 : memref<10112x40xf32, #tpu.memory_space<hbm>>) target(%dma_start3A_267 : memref<128x40xf32, #tpu.memory_space<vmem>>) offsets(%dma_start3A_270 : memref<128xi32, #tpu.memory_space<vmem>>) semaphore(%arg12 : memref<!tpu.dma_semaphore, #tpu.memory_space<semaphore_mem>>)
      } else {
      }
      %add3A_228 = arith.constant 4 : i32
      %add3A_229 = arith.addi %mul3A_108, %add3A_228 : i32
      %add3A_230 = arith.constant 2 : i32
      %add3A_231 = arith.addi %add3A_229, %add3A_230 : i32
      %lt3A_232 = arith.constant 80 : i32
      %lt3A_233 = arith.cmpi slt, %add3A_231, %lt3A_232 : i32
      %convert_element_type3A_234 = arith.extui %lt3A_233 : i1 to i32
      %cond3A_235 = arith.constant 0 : i32
      %cond3A_236 = arith.cmpi ne, %convert_element_type3A_234, %cond3A_235 : i32
      scf.if %cond3A_236 {
        %add3A_246 = arith.constant 2 : i32
        %add3A_247 = arith.addi %mul3A_108, %add3A_246 : i32
        %dma_wait3A_248 = arith.constant 2 : i32
        %dma_wait3A_249 = arith.constant 0 : i32
        %dma_wait3A_250 = arith.constant 0 : i32
        %dma_wait3A_251 = tpu.memref_slice %arg9[%dma_wait3A_248, %dma_wait3A_249, %dma_wait3A_250] : memref<4x128x40xf32, #tpu.memory_space<vmem>> -> memref<1x128x40xf32, #tpu.memory_space<vmem>>
        %dma_wait3A_252 = tpu.memref_squeeze %dma_wait3A_251 : memref<1x128x40xf32, #tpu.memory_space<vmem>> -> memref<128x40xf32, #tpu.memory_space<vmem>>
        %dma_wait3A_253 = arith.constant 0 : i32
        %dma_wait3A_254 = tpu.memref_slice %arg8[%add3A_247, %dma_wait3A_253] : memref<80x128xi32, #tpu.memory_space<vmem>> -> memref<1x128xi32, #tpu.memory_space<vmem>>
        %dma_wait3A_255 = tpu.memref_squeeze %dma_wait3A_254 : memref<1x128xi32, #tpu.memory_space<vmem>> -> memref<128xi32, #tpu.memory_space<vmem>>
        %dma_wait3A_256 = arith.constant 0 : i32
        %dma_wait3A_257 = arith.constant 0 : i32
        %dma_wait3A_258 = tpu.memref_slice %arg10[%dma_wait3A_256, %dma_wait3A_257] : memref<10112x40xf32, #tpu.memory_space<vmem_shared>> -> memref<10112x40xf32, #tpu.memory_space<vmem_shared>>
        tpu.wait_indirect_dma semaphore(%arg17 : memref<!tpu.dma_semaphore, #tpu.memory_space<semaphore_mem>>) src(%dma_wait3A_252 : memref<128x40xf32, #tpu.memory_space<vmem>>) dst(%dma_wait3A_258 : memref<10112x40xf32, #tpu.memory_space<vmem_shared>>)
        %add3A_259 = arith.constant 4 : i32
        %add3A_260 = arith.addi %mul3A_108, %add3A_259 : i32
        %add3A_261 = arith.constant 2 : i32
        %add3A_262 = arith.addi %add3A_260, %add3A_261 : i32
        %dma_start3A_263 = arith.constant 2 : i32
        %dma_start3A_264 = arith.constant 0 : i32
        %dma_start3A_265 = arith.constant 0 : i32
        %dma_start3A_266 = tpu.memref_slice %arg9[%dma_start3A_263, %dma_start3A_264, %dma_start3A_265] : memref<4x128x40xf32, #tpu.memory_space<vmem>> -> memref<1x128x40xf32, #tpu.memory_space<vmem>>
        %dma_start3A_267 = tpu.memref_squeeze %dma_start3A_266 : memref<1x128x40xf32, #tpu.memory_space<vmem>> -> memref<128x40xf32, #tpu.memory_space<vmem>>
        %dma_start3A_268 = arith.constant 0 : i32
        %dma_start3A_269 = tpu.memref_slice %arg7[%add3A_262, %dma_start3A_268] : memref<80x128xi32, #tpu.memory_space<vmem>> -> memref<1x128xi32, #tpu.memory_space<vmem>>
        %dma_start3A_270 = tpu.memref_squeeze %dma_start3A_269 : memref<1x128xi32, #tpu.memory_space<vmem>> -> memref<128xi32, #tpu.memory_space<vmem>>
        %dma_start3A_271 = arith.constant 0 : i32
        %dma_start3A_272 = arith.constant 0 : i32
        %dma_start3A_273 = tpu.memref_slice %arg2[%dma_start3A_271, %dma_start3A_272] : memref<10112x40xf32, #tpu.memory_space<hbm>> -> memref<10112x40xf32, #tpu.memory_space<hbm>>
        tpu.enqueue_indirect_dma source(%dma_start3A_273 : memref<10112x40xf32, #tpu.memory_space<hbm>>) target(%dma_start3A_267 : memref<128x40xf32, #tpu.memory_space<vmem>>) offsets(%dma_start3A_270 : memref<128xi32, #tpu.memory_space<vmem>>) semaphore(%arg13 : memref<!tpu.dma_semaphore, #tpu.memory_space<semaphore_mem>>)
      } else {
      }
      %add3A_237 = arith.constant 4 : i32
      %add3A_238 = arith.addi %mul3A_108, %add3A_237 : i32
      %add3A_239 = arith.constant 3 : i32
      %add3A_240 = arith.addi %add3A_238, %add3A_239 : i32
      %lt3A_241 = arith.constant 80 : i32
      %lt3A_242 = arith.cmpi slt, %add3A_240, %lt3A_241 : i32
      %convert_element_type3A_243 = arith.extui %lt3A_242 : i1 to i32
      %cond3A_244 = arith.constant 0 : i32
      %cond3A_245 = arith.cmpi ne, %convert_element_type3A_243, %cond3A_244 : i32
      scf.if %cond3A_245 {
        %add3A_246 = arith.constant 3 : i32
        %add3A_247 = arith.addi %mul3A_108, %add3A_246 : i32
        %dma_wait3A_248 = arith.constant 3 : i32
        %dma_wait3A_249 = arith.constant 0 : i32
        %dma_wait3A_250 = arith.constant 0 : i32
        %dma_wait3A_251 = tpu.memref_slice %arg9[%dma_wait3A_248, %dma_wait3A_249, %dma_wait3A_250] : memref<4x128x40xf32, #tpu.memory_space<vmem>> -> memref<1x128x40xf32, #tpu.memory_space<vmem>>
        %dma_wait3A_252 = tpu.memref_squeeze %dma_wait3A_251 : memref<1x128x40xf32, #tpu.memory_space<vmem>> -> memref<128x40xf32, #tpu.memory_space<vmem>>
        %dma_wait3A_253 = arith.constant 0 : i32
        %dma_wait3A_254 = tpu.memref_slice %arg8[%add3A_247, %dma_wait3A_253] : memref<80x128xi32, #tpu.memory_space<vmem>> -> memref<1x128xi32, #tpu.memory_space<vmem>>
        %dma_wait3A_255 = tpu.memref_squeeze %dma_wait3A_254 : memref<1x128xi32, #tpu.memory_space<vmem>> -> memref<128xi32, #tpu.memory_space<vmem>>
        %dma_wait3A_256 = arith.constant 0 : i32
        %dma_wait3A_257 = arith.constant 0 : i32
        %dma_wait3A_258 = tpu.memref_slice %arg10[%dma_wait3A_256, %dma_wait3A_257] : memref<10112x40xf32, #tpu.memory_space<vmem_shared>> -> memref<10112x40xf32, #tpu.memory_space<vmem_shared>>
        tpu.wait_indirect_dma semaphore(%arg18 : memref<!tpu.dma_semaphore, #tpu.memory_space<semaphore_mem>>) src(%dma_wait3A_252 : memref<128x40xf32, #tpu.memory_space<vmem>>) dst(%dma_wait3A_258 : memref<10112x40xf32, #tpu.memory_space<vmem_shared>>)
        %add3A_259 = arith.constant 4 : i32
        %add3A_260 = arith.addi %mul3A_108, %add3A_259 : i32
        %add3A_261 = arith.constant 3 : i32
        %add3A_262 = arith.addi %add3A_260, %add3A_261 : i32
        %dma_start3A_263 = arith.constant 3 : i32
        %dma_start3A_264 = arith.constant 0 : i32
        %dma_start3A_265 = arith.constant 0 : i32
        %dma_start3A_266 = tpu.memref_slice %arg9[%dma_start3A_263, %dma_start3A_264, %dma_start3A_265] : memref<4x128x40xf32, #tpu.memory_space<vmem>> -> memref<1x128x40xf32, #tpu.memory_space<vmem>>
        %dma_start3A_267 = tpu.memref_squeeze %dma_start3A_266 : memref<1x128x40xf32, #tpu.memory_space<vmem>> -> memref<128x40xf32, #tpu.memory_space<vmem>>
        %dma_start3A_268 = arith.constant 0 : i32
        %dma_start3A_269 = tpu.memref_slice %arg7[%add3A_262, %dma_start3A_268] : memref<80x128xi32, #tpu.memory_space<vmem>> -> memref<1x128xi32, #tpu.memory_space<vmem>>
        %dma_start3A_270 = tpu.memref_squeeze %dma_start3A_269 : memref<1x128xi32, #tpu.memory_space<vmem>> -> memref<128xi32, #tpu.memory_space<vmem>>
        %dma_start3A_271 = arith.constant 0 : i32
        %dma_start3A_272 = arith.constant 0 : i32
        %dma_start3A_273 = tpu.memref_slice %arg2[%dma_start3A_271, %dma_start3A_272] : memref<10112x40xf32, #tpu.memory_space<hbm>> -> memref<10112x40xf32, #tpu.memory_space<hbm>>
        tpu.enqueue_indirect_dma source(%dma_start3A_273 : memref<10112x40xf32, #tpu.memory_space<hbm>>) target(%dma_start3A_267 : memref<128x40xf32, #tpu.memory_space<vmem>>) offsets(%dma_start3A_270 : memref<128xi32, #tpu.memory_space<vmem>>) semaphore(%arg14 : memref<!tpu.dma_semaphore, #tpu.memory_space<semaphore_mem>>)
      } else {
      }
    }
    %scan3A_53 = arith.constant 20 : i32
    %dma_wait3A = arith.constant 0 : i32
    %dma_wait3A_54 = arith.constant 76 : i32
    %dma_wait3A_55 = arith.constant 0 : i32
    %dma_wait3A_56 = arith.constant 0 : i32
    %dma_wait3A_57 = tpu.memref_slice %arg9[%dma_wait3A, %dma_wait3A_55, %dma_wait3A_56] : memref<4x128x40xf32, #tpu.memory_space<vmem>> -> memref<1x128x40xf32, #tpu.memory_space<vmem>>
    %dma_wait3A_58 = tpu.memref_squeeze %dma_wait3A_57 : memref<1x128x40xf32, #tpu.memory_space<vmem>> -> memref<128x40xf32, #tpu.memory_space<vmem>>
    %dma_wait3A_59 = arith.constant 0 : i32
    %dma_wait3A_60 = tpu.memref_slice %arg8[%dma_wait3A_54, %dma_wait3A_59] : memref<80x128xi32, #tpu.memory_space<vmem>> -> memref<1x128xi32, #tpu.memory_space<vmem>>
    %dma_wait3A_61 = tpu.memref_squeeze %dma_wait3A_60 : memref<1x128xi32, #tpu.memory_space<vmem>> -> memref<128xi32, #tpu.memory_space<vmem>>
    %dma_wait3A_62 = arith.constant 0 : i32
    %dma_wait3A_63 = arith.constant 0 : i32
    %dma_wait3A_64 = tpu.memref_slice %arg10[%dma_wait3A_62, %dma_wait3A_63] : memref<10112x40xf32, #tpu.memory_space<vmem_shared>> -> memref<10112x40xf32, #tpu.memory_space<vmem_shared>>
    tpu.wait_indirect_dma semaphore(%arg15 : memref<!tpu.dma_semaphore, #tpu.memory_space<semaphore_mem>>) src(%dma_wait3A_58 : memref<128x40xf32, #tpu.memory_space<vmem>>) dst(%dma_wait3A_64 : memref<10112x40xf32, #tpu.memory_space<vmem_shared>>)
    %dma_wait3A_65 = arith.constant 1 : i32
    %dma_wait3A_66 = arith.constant 77 : i32
    %dma_wait3A_67 = arith.constant 0 : i32
    %dma_wait3A_68 = arith.constant 0 : i32
    %dma_wait3A_69 = tpu.memref_slice %arg9[%dma_wait3A_65, %dma_wait3A_67, %dma_wait3A_68] : memref<4x128x40xf32, #tpu.memory_space<vmem>> -> memref<1x128x40xf32, #tpu.memory_space<vmem>>
    %dma_wait3A_70 = tpu.memref_squeeze %dma_wait3A_69 : memref<1x128x40xf32, #tpu.memory_space<vmem>> -> memref<128x40xf32, #tpu.memory_space<vmem>>
    %dma_wait3A_71 = arith.constant 0 : i32
    %dma_wait3A_72 = tpu.memref_slice %arg8[%dma_wait3A_66, %dma_wait3A_71] : memref<80x128xi32, #tpu.memory_space<vmem>> -> memref<1x128xi32, #tpu.memory_space<vmem>>
    %dma_wait3A_73 = tpu.memref_squeeze %dma_wait3A_72 : memref<1x128xi32, #tpu.memory_space<vmem>> -> memref<128xi32, #tpu.memory_space<vmem>>
    %dma_wait3A_74 = arith.constant 0 : i32
    %dma_wait3A_75 = arith.constant 0 : i32
    %dma_wait3A_76 = tpu.memref_slice %arg10[%dma_wait3A_74, %dma_wait3A_75] : memref<10112x40xf32, #tpu.memory_space<vmem_shared>> -> memref<10112x40xf32, #tpu.memory_space<vmem_shared>>
    tpu.wait_indirect_dma semaphore(%arg16 : memref<!tpu.dma_semaphore, #tpu.memory_space<semaphore_mem>>) src(%dma_wait3A_70 : memref<128x40xf32, #tpu.memory_space<vmem>>) dst(%dma_wait3A_76 : memref<10112x40xf32, #tpu.memory_space<vmem_shared>>)
    %dma_wait3A_77 = arith.constant 2 : i32
    %dma_wait3A_78 = arith.constant 78 : i32
    %dma_wait3A_79 = arith.constant 0 : i32
    %dma_wait3A_80 = arith.constant 0 : i32
    %dma_wait3A_81 = tpu.memref_slice %arg9[%dma_wait3A_77, %dma_wait3A_79, %dma_wait3A_80] : memref<4x128x40xf32, #tpu.memory_space<vmem>> -> memref<1x128x40xf32, #tpu.memory_space<vmem>>
    %dma_wait3A_82 = tpu.memref_squeeze %dma_wait3A_81 : memref<1x128x40xf32, #tpu.memory_space<vmem>> -> memref<128x40xf32, #tpu.memory_space<vmem>>
    %dma_wait3A_83 = arith.constant 0 : i32
    %dma_wait3A_84 = tpu.memref_slice %arg8[%dma_wait3A_78, %dma_wait3A_83] : memref<80x128xi32, #tpu.memory_space<vmem>> -> memref<1x128xi32, #tpu.memory_space<vmem>>
    %dma_wait3A_85 = tpu.memref_squeeze %dma_wait3A_84 : memref<1x128xi32, #tpu.memory_space<vmem>> -> memref<128xi32, #tpu.memory_space<vmem>>
    %dma_wait3A_86 = arith.constant 0 : i32
    %dma_wait3A_87 = arith.constant 0 : i32
    %dma_wait3A_88 = tpu.memref_slice %arg10[%dma_wait3A_86, %dma_wait3A_87] : memref<10112x40xf32, #tpu.memory_space<vmem_shared>> -> memref<10112x40xf32, #tpu.memory_space<vmem_shared>>
    tpu.wait_indirect_dma semaphore(%arg17 : memref<!tpu.dma_semaphore, #tpu.memory_space<semaphore_mem>>) src(%dma_wait3A_82 : memref<128x40xf32, #tpu.memory_space<vmem>>) dst(%dma_wait3A_88 : memref<10112x40xf32, #tpu.memory_space<vmem_shared>>)
    %dma_wait3A_89 = arith.constant 3 : i32
    %dma_wait3A_90 = arith.constant 79 : i32
    %dma_wait3A_91 = arith.constant 0 : i32
    %dma_wait3A_92 = arith.constant 0 : i32
    %dma_wait3A_93 = tpu.memref_slice %arg9[%dma_wait3A_89, %dma_wait3A_91, %dma_wait3A_92] : memref<4x128x40xf32, #tpu.memory_space<vmem>> -> memref<1x128x40xf32, #tpu.memory_space<vmem>>
    %dma_wait3A_94 = tpu.memref_squeeze %dma_wait3A_93 : memref<1x128x40xf32, #tpu.memory_space<vmem>> -> memref<128x40xf32, #tpu.memory_space<vmem>>
    %dma_wait3A_95 = arith.constant 0 : i32
    %dma_wait3A_96 = tpu.memref_slice %arg8[%dma_wait3A_90, %dma_wait3A_95] : memref<80x128xi32, #tpu.memory_space<vmem>> -> memref<1x128xi32, #tpu.memory_space<vmem>>
    %dma_wait3A_97 = tpu.memref_squeeze %dma_wait3A_96 : memref<1x128xi32, #tpu.memory_space<vmem>> -> memref<128xi32, #tpu.memory_space<vmem>>
    %dma_wait3A_98 = arith.constant 0 : i32
    %dma_wait3A_99 = arith.constant 0 : i32
    %dma_wait3A_100 = tpu.memref_slice %arg10[%dma_wait3A_98, %dma_wait3A_99] : memref<10112x40xf32, #tpu.memory_space<vmem_shared>> -> memref<10112x40xf32, #tpu.memory_space<vmem_shared>>
    tpu.wait_indirect_dma semaphore(%arg18 : memref<!tpu.dma_semaphore, #tpu.memory_space<semaphore_mem>>) src(%dma_wait3A_94 : memref<128x40xf32, #tpu.memory_space<vmem>>) dst(%dma_wait3A_100 : memref<10112x40xf32, #tpu.memory_space<vmem_shared>>)
    %barrier3A_101 = arith.constant 0 : index
    tpu.barrier barrier_id(%barrier3A_101)
    "tpu.region"() ({
      %run_scoped3A = tpu.sem_alloc : memref<!tpu.dma_semaphore, #tpu.memory_space<semaphore_mem>>
      %dma_start3A_102 = arith.constant 0 : i32
      %dma_start3A_103 = tpu.memref_slice %arg6[%arg0, %mul3A_2, %dma_start3A_102] : memref<2x10112x40xf32, #tpu.memory_space<hbm>> -> memref<1x632x40xf32, #tpu.memory_space<hbm>>
      %dma_start3A_104 = tpu.memref_squeeze %dma_start3A_103 : memref<1x632x40xf32, #tpu.memory_space<hbm>> -> memref<632x40xf32, #tpu.memory_space<hbm>>
      %dma_start3A_105 = arith.constant 0 : i32
      %dma_start3A_106 = tpu.memref_slice %arg10[%mul3A_2, %dma_start3A_105] : memref<10112x40xf32, #tpu.memory_space<vmem_shared>> -> memref<632x40xf32, #tpu.memory_space<vmem_shared>>
      tpu.enqueue_dma source(%dma_start3A_106 : memref<632x40xf32, #tpu.memory_space<vmem_shared>>) target(%dma_start3A_104 : memref<632x40xf32, #tpu.memory_space<hbm>>) target_semaphore(%run_scoped3A : memref<!tpu.dma_semaphore, #tpu.memory_space<semaphore_mem>>)
      %dma_wait3A_107 = arith.constant 0 : i32
      %dma_wait3A_108 = tpu.memref_slice %arg6[%arg0, %mul3A_2, %dma_wait3A_107] : memref<2x10112x40xf32, #tpu.memory_space<hbm>> -> memref<1x632x40xf32, #tpu.memory_space<hbm>>
      %dma_wait3A_109 = tpu.memref_squeeze %dma_wait3A_108 : memref<1x632x40xf32, #tpu.memory_space<hbm>> -> memref<632x40xf32, #tpu.memory_space<hbm>>
      %dma_wait3A_110 = arith.constant 0 : i32
      %dma_wait3A_111 = tpu.memref_slice %arg10[%mul3A_2, %dma_wait3A_110] : memref<10112x40xf32, #tpu.memory_space<vmem_shared>> -> memref<632x40xf32, #tpu.memory_space<vmem_shared>>
      tpu.wait_dma2 semaphore(%run_scoped3A : memref<!tpu.dma_semaphore, #tpu.memory_space<semaphore_mem>>) src(%dma_wait3A_111 : memref<632x40xf32, #tpu.memory_space<vmem_shared>>) dst(%dma_wait3A_109 : memref<632x40xf32, #tpu.memory_space<hbm>>)
      tpu.yield
    }) : () -> ()
    return
  }
}

#map = affine_map<(d0, d1) -> (0, 0)>
#map1 = affine_map<(d0, d1) -> (0, 0, 0)>
module attributes {stable_mosaic.version = 14 : i64} {
  func.func @hop_kernel(%arg0: i32, %arg1: i32, %arg2: memref<10112x40xf32, #tpu.memory_space<hbm>>, %arg3: memref<32x80x128xi32, #tpu.memory_space<hbm>>, %arg4: memref<32x80x128xi32, #tpu.memory_space<hbm>>, %arg5: memref<632x40xf32, #tpu.memory_space<hbm>>, %arg6: memref<2x10112x40xf32, #tpu.memory_space<hbm>>, %arg7: memref<80x128xi32, #tpu.memory_space<vmem>>, %arg8: memref<80x128xi32, #tpu.memory_space<vmem>>, %arg9: memref<4x128x40xf32, #tpu.memory_space<vmem>>, %arg10: memref<10112x40xf32, #tpu.memory_space<vmem_shared>>, %arg11: memref<!tpu.dma_semaphore, #tpu.memory_space<semaphore_mem>>, %arg12: memref<!tpu.dma_semaphore, #tpu.memory_space<semaphore_mem>>, %arg13: memref<!tpu.dma_semaphore, #tpu.memory_space<semaphore_mem>>, %arg14: memref<!tpu.dma_semaphore, #tpu.memory_space<semaphore_mem>>, %arg15: memref<!tpu.dma_semaphore, #tpu.memory_space<semaphore_mem>>, %arg16: memref<!tpu.dma_semaphore, #tpu.memory_space<semaphore_mem>>, %arg17: memref<!tpu.dma_semaphore, #tpu.memory_space<semaphore_mem>>, %arg18: memref<!tpu.dma_semaphore, #tpu.memory_space<semaphore_mem>>) attributes {dimension_semantics = [#tpu.dimension_semantics<core_parallel>, #tpu.dimension_semantics<subcore_parallel>], iteration_bounds = array<i64: 2, 16>, scalar_prefetch = 0 : i64, scratch_operands = 12 : i64, tpu.core_type = #tpu.core_type<sc_vector_subcore>, window_params = [{transform_indices = #map}, {transform_indices = #map1}, {transform_indices = #map1}, {transform_indices = #map}, {transform_indices = #map1}]} {
    %mul3A = arith.constant 16 : i32
    %mul3A_0 = arith.muli %arg0, %mul3A : i32
    %add3A = arith.addi %mul3A_0, %arg1 : i32
    %mul3A_1 = arith.constant 632 : i32
    %mul3A_2 = arith.muli %arg1, %mul3A_1 : i32
    "tpu.region"() ({
      %run_scoped3A = tpu.sem_alloc : memref<!tpu.dma_semaphore, #tpu.memory_space<semaphore_mem>>
      %dma_start3A_102 = arith.constant 0 : i32
      %dma_start3A_103 = tpu.memref_slice %arg10[%mul3A_2, %dma_start3A_102] : memref<10112x40xf32, #tpu.memory_space<vmem_shared>> -> memref<632x40xf32, #tpu.memory_space<vmem_shared>>
      tpu.enqueue_dma source(%arg5 : memref<632x40xf32, #tpu.memory_space<hbm>>) target(%dma_start3A_103 : memref<632x40xf32, #tpu.memory_space<vmem_shared>>) target_semaphore(%run_scoped3A : memref<!tpu.dma_semaphore, #tpu.memory_space<semaphore_mem>>)
      %dma_wait3A_104 = arith.constant 0 : i32
      %dma_wait3A_105 = tpu.memref_slice %arg10[%mul3A_2, %dma_wait3A_104] : memref<10112x40xf32, #tpu.memory_space<vmem_shared>> -> memref<632x40xf32, #tpu.memory_space<vmem_shared>>
      tpu.wait_dma2 semaphore(%run_scoped3A : memref<!tpu.dma_semaphore, #tpu.memory_space<semaphore_mem>>) src(%arg5 : memref<632x40xf32, #tpu.memory_space<hbm>>) dst(%dma_wait3A_105 : memref<632x40xf32, #tpu.memory_space<vmem_shared>>)
      tpu.yield
    }) : () -> ()
    "tpu.region"() ({
      %run_scoped3A = tpu.sem_alloc : memref<!tpu.dma_semaphore, #tpu.memory_space<semaphore_mem>>
      %dma_start3A_102 = arith.constant 0 : i32
      %dma_start3A_103 = arith.constant 0 : i32
      %dma_start3A_104 = tpu.memref_slice %arg3[%add3A, %dma_start3A_102, %dma_start3A_103] : memref<32x80x128xi32, #tpu.memory_space<hbm>> -> memref<1x80x128xi32, #tpu.memory_space<hbm>>
      %dma_start3A_105 = tpu.memref_squeeze %dma_start3A_104 : memref<1x80x128xi32, #tpu.memory_space<hbm>> -> memref<80x128xi32, #tpu.memory_space<hbm>>
      %dma_start3A_106 = arith.constant 0 : i32
      %dma_start3A_107 = arith.constant 0 : i32
      %dma_start3A_108 = tpu.memref_slice %arg3[%add3A, %dma_start3A_106, %dma_start3A_107] : memref<32x80x128xi32, #tpu.memory_space<hbm>> -> memref<1x80x128xi32, #tpu.memory_space<hbm>>
      %dma_start3A_109 = tpu.memref_squeeze %dma_start3A_108 : memref<1x80x128xi32, #tpu.memory_space<hbm>> -> memref<80x128xi32, #tpu.memory_space<hbm>>
      tpu.enqueue_dma source(%dma_start3A_109 : memref<80x128xi32, #tpu.memory_space<hbm>>) target(%arg7 : memref<80x128xi32, #tpu.memory_space<vmem>>) target_semaphore(%run_scoped3A : memref<!tpu.dma_semaphore, #tpu.memory_space<semaphore_mem>>)
      %dma_wait3A_110 = arith.constant 0 : i32
      %dma_wait3A_111 = arith.constant 0 : i32
      %dma_wait3A_112 = tpu.memref_slice %arg3[%add3A, %dma_wait3A_110, %dma_wait3A_111] : memref<32x80x128xi32, #tpu.memory_space<hbm>> -> memref<1x80x128xi32, #tpu.memory_space<hbm>>
      %dma_wait3A_113 = tpu.memref_squeeze %dma_wait3A_112 : memref<1x80x128xi32, #tpu.memory_space<hbm>> -> memref<80x128xi32, #tpu.memory_space<hbm>>
      %dma_wait3A_114 = arith.constant 0 : i32
      %dma_wait3A_115 = arith.constant 0 : i32
      %dma_wait3A_116 = tpu.memref_slice %arg3[%add3A, %dma_wait3A_114, %dma_wait3A_115] : memref<32x80x128xi32, #tpu.memory_space<hbm>> -> memref<1x80x128xi32, #tpu.memory_space<hbm>>
      %dma_wait3A_117 = tpu.memref_squeeze %dma_wait3A_116 : memref<1x80x128xi32, #tpu.memory_space<hbm>> -> memref<80x128xi32, #tpu.memory_space<hbm>>
      tpu.wait_dma2 semaphore(%run_scoped3A : memref<!tpu.dma_semaphore, #tpu.memory_space<semaphore_mem>>) src(%dma_wait3A_117 : memref<80x128xi32, #tpu.memory_space<hbm>>) dst(%arg7 : memref<80x128xi32, #tpu.memory_space<vmem>>)
      tpu.yield
    }) : () -> ()
    "tpu.region"() ({
      %run_scoped3A = tpu.sem_alloc : memref<!tpu.dma_semaphore, #tpu.memory_space<semaphore_mem>>
      %dma_start3A_102 = arith.constant 0 : i32
      %dma_start3A_103 = arith.constant 0 : i32
      %dma_start3A_104 = tpu.memref_slice %arg4[%add3A, %dma_start3A_102, %dma_start3A_103] : memref<32x80x128xi32, #tpu.memory_space<hbm>> -> memref<1x80x128xi32, #tpu.memory_space<hbm>>
      %dma_start3A_105 = tpu.memref_squeeze %dma_start3A_104 : memref<1x80x128xi32, #tpu.memory_space<hbm>> -> memref<80x128xi32, #tpu.memory_space<hbm>>
      %dma_start3A_106 = arith.constant 0 : i32
      %dma_start3A_107 = arith.constant 0 : i32
      %dma_start3A_108 = tpu.memref_slice %arg4[%add3A, %dma_start3A_106, %dma_start3A_107] : memref<32x80x128xi32, #tpu.memory_space<hbm>> -> memref<1x80x128xi32, #tpu.memory_space<hbm>>
      %dma_start3A_109 = tpu.memref_squeeze %dma_start3A_108 : memref<1x80x128xi32, #tpu.memory_space<hbm>> -> memref<80x128xi32, #tpu.memory_space<hbm>>
      tpu.enqueue_dma source(%dma_start3A_109 : memref<80x128xi32, #tpu.memory_space<hbm>>) target(%arg8 : memref<80x128xi32, #tpu.memory_space<vmem>>) target_semaphore(%run_scoped3A : memref<!tpu.dma_semaphore, #tpu.memory_space<semaphore_mem>>)
      %dma_wait3A_110 = arith.constant 0 : i32
      %dma_wait3A_111 = arith.constant 0 : i32
      %dma_wait3A_112 = tpu.memref_slice %arg4[%add3A, %dma_wait3A_110, %dma_wait3A_111] : memref<32x80x128xi32, #tpu.memory_space<hbm>> -> memref<1x80x128xi32, #tpu.memory_space<hbm>>
      %dma_wait3A_113 = tpu.memref_squeeze %dma_wait3A_112 : memref<1x80x128xi32, #tpu.memory_space<hbm>> -> memref<80x128xi32, #tpu.memory_space<hbm>>
      %dma_wait3A_114 = arith.constant 0 : i32
      %dma_wait3A_115 = arith.constant 0 : i32
      %dma_wait3A_116 = tpu.memref_slice %arg4[%add3A, %dma_wait3A_114, %dma_wait3A_115] : memref<32x80x128xi32, #tpu.memory_space<hbm>> -> memref<1x80x128xi32, #tpu.memory_space<hbm>>
      %dma_wait3A_117 = tpu.memref_squeeze %dma_wait3A_116 : memref<1x80x128xi32, #tpu.memory_space<hbm>> -> memref<80x128xi32, #tpu.memory_space<hbm>>
      tpu.wait_dma2 semaphore(%run_scoped3A : memref<!tpu.dma_semaphore, #tpu.memory_space<semaphore_mem>>) src(%dma_wait3A_117 : memref<80x128xi32, #tpu.memory_space<hbm>>) dst(%arg8 : memref<80x128xi32, #tpu.memory_space<vmem>>)
      tpu.yield
    }) : () -> ()
    %barrier3A = arith.constant 0 : index
    tpu.barrier barrier_id(%barrier3A)
    %dma_start3A = arith.constant 0 : i32
    %dma_start3A_3 = arith.constant 0 : i32
    %dma_start3A_4 = arith.constant 0 : i32
    %dma_start3A_5 = arith.constant 0 : i32
    %dma_start3A_6 = tpu.memref_slice %arg9[%dma_start3A_3, %dma_start3A_4, %dma_start3A_5] : memref<4x128x40xf32, #tpu.memory_space<vmem>> -> memref<1x128x40xf32, #tpu.memory_space<vmem>>
    %dma_start3A_7 = tpu.memref_squeeze %dma_start3A_6 : memref<1x128x40xf32, #tpu.memory_space<vmem>> -> memref<128x40xf32, #tpu.memory_space<vmem>>
    %dma_start3A_8 = arith.constant 0 : i32
    %dma_start3A_9 = tpu.memref_slice %arg7[%dma_start3A, %dma_start3A_8] : memref<80x128xi32, #tpu.memory_space<vmem>> -> memref<1x128xi32, #tpu.memory_space<vmem>>
    %dma_start3A_10 = tpu.memref_squeeze %dma_start3A_9 : memref<1x128xi32, #tpu.memory_space<vmem>> -> memref<128xi32, #tpu.memory_space<vmem>>
    %dma_start3A_11 = arith.constant 0 : i32
    %dma_start3A_12 = arith.constant 0 : i32
    %dma_start3A_13 = tpu.memref_slice %arg2[%dma_start3A_11, %dma_start3A_12] : memref<10112x40xf32, #tpu.memory_space<hbm>> -> memref<10112x40xf32, #tpu.memory_space<hbm>>
    tpu.enqueue_indirect_dma source(%dma_start3A_13 : memref<10112x40xf32, #tpu.memory_space<hbm>>) target(%dma_start3A_7 : memref<128x40xf32, #tpu.memory_space<vmem>>) offsets(%dma_start3A_10 : memref<128xi32, #tpu.memory_space<vmem>>) semaphore(%arg11 : memref<!tpu.dma_semaphore, #tpu.memory_space<semaphore_mem>>)
    %dma_start3A_14 = arith.constant 1 : i32
    %dma_start3A_15 = arith.constant 1 : i32
    %dma_start3A_16 = arith.constant 0 : i32
    %dma_start3A_17 = arith.constant 0 : i32
    %dma_start3A_18 = tpu.memref_slice %arg9[%dma_start3A_15, %dma_start3A_16, %dma_start3A_17] : memref<4x128x40xf32, #tpu.memory_space<vmem>> -> memref<1x128x40xf32, #tpu.memory_space<vmem>>
    %dma_start3A_19 = tpu.memref_squeeze %dma_start3A_18 : memref<1x128x40xf32, #tpu.memory_space<vmem>> -> memref<128x40xf32, #tpu.memory_space<vmem>>
    %dma_start3A_20 = arith.constant 0 : i32
    %dma_start3A_21 = tpu.memref_slice %arg7[%dma_start3A_14, %dma_start3A_20] : memref<80x128xi32, #tpu.memory_space<vmem>> -> memref<1x128xi32, #tpu.memory_space<vmem>>
    %dma_start3A_22 = tpu.memref_squeeze %dma_start3A_21 : memref<1x128xi32, #tpu.memory_space<vmem>> -> memref<128xi32, #tpu.memory_space<vmem>>
    %dma_start3A_23 = arith.constant 0 : i32
    %dma_start3A_24 = arith.constant 0 : i32
    %dma_start3A_25 = tpu.memref_slice %arg2[%dma_start3A_23, %dma_start3A_24] : memref<10112x40xf32, #tpu.memory_space<hbm>> -> memref<10112x40xf32, #tpu.memory_space<hbm>>
    tpu.enqueue_indirect_dma source(%dma_start3A_25 : memref<10112x40xf32, #tpu.memory_space<hbm>>) target(%dma_start3A_19 : memref<128x40xf32, #tpu.memory_space<vmem>>) offsets(%dma_start3A_22 : memref<128xi32, #tpu.memory_space<vmem>>) semaphore(%arg12 : memref<!tpu.dma_semaphore, #tpu.memory_space<semaphore_mem>>)
    %dma_start3A_26 = arith.constant 2 : i32
    %dma_start3A_27 = arith.constant 2 : i32
    %dma_start3A_28 = arith.constant 0 : i32
    %dma_start3A_29 = arith.constant 0 : i32
    %dma_start3A_30 = tpu.memref_slice %arg9[%dma_start3A_27, %dma_start3A_28, %dma_start3A_29] : memref<4x128x40xf32, #tpu.memory_space<vmem>> -> memref<1x128x40xf32, #tpu.memory_space<vmem>>
    %dma_start3A_31 = tpu.memref_squeeze %dma_start3A_30 : memref<1x128x40xf32, #tpu.memory_space<vmem>> -> memref<128x40xf32, #tpu.memory_space<vmem>>
    %dma_start3A_32 = arith.constant 0 : i32
    %dma_start3A_33 = tpu.memref_slice %arg7[%dma_start3A_26, %dma_start3A_32] : memref<80x128xi32, #tpu.memory_space<vmem>> -> memref<1x128xi32, #tpu.memory_space<vmem>>
    %dma_start3A_34 = tpu.memref_squeeze %dma_start3A_33 : memref<1x128xi32, #tpu.memory_space<vmem>> -> memref<128xi32, #tpu.memory_space<vmem>>
    %dma_start3A_35 = arith.constant 0 : i32
    %dma_start3A_36 = arith.constant 0 : i32
    %dma_start3A_37 = tpu.memref_slice %arg2[%dma_start3A_35, %dma_start3A_36] : memref<10112x40xf32, #tpu.memory_space<hbm>> -> memref<10112x40xf32, #tpu.memory_space<hbm>>
    tpu.enqueue_indirect_dma source(%dma_start3A_37 : memref<10112x40xf32, #tpu.memory_space<hbm>>) target(%dma_start3A_31 : memref<128x40xf32, #tpu.memory_space<vmem>>) offsets(%dma_start3A_34 : memref<128xi32, #tpu.memory_space<vmem>>) semaphore(%arg13 : memref<!tpu.dma_semaphore, #tpu.memory_space<semaphore_mem>>)
    %dma_start3A_38 = arith.constant 3 : i32
    %dma_start3A_39 = arith.constant 3 : i32
    %dma_start3A_40 = arith.constant 0 : i32
    %dma_start3A_41 = arith.constant 0 : i32
    %dma_start3A_42 = tpu.memref_slice %arg9[%dma_start3A_39, %dma_start3A_40, %dma_start3A_41] : memref<4x128x40xf32, #tpu.memory_space<vmem>> -> memref<1x128x40xf32, #tpu.memory_space<vmem>>
    %dma_start3A_43 = tpu.memref_squeeze %dma_start3A_42 : memref<1x128x40xf32, #tpu.memory_space<vmem>> -> memref<128x40xf32, #tpu.memory_space<vmem>>
    %dma_start3A_44 = arith.constant 0 : i32
    %dma_start3A_45 = tpu.memref_slice %arg7[%dma_start3A_38, %dma_start3A_44] : memref<80x128xi32, #tpu.memory_space<vmem>> -> memref<1x128xi32, #tpu.memory_space<vmem>>
    %dma_start3A_46 = tpu.memref_squeeze %dma_start3A_45 : memref<1x128xi32, #tpu.memory_space<vmem>> -> memref<128xi32, #tpu.memory_space<vmem>>
    %dma_start3A_47 = arith.constant 0 : i32
    %dma_start3A_48 = arith.constant 0 : i32
    %dma_start3A_49 = tpu.memref_slice %arg2[%dma_start3A_47, %dma_start3A_48] : memref<10112x40xf32, #tpu.memory_space<hbm>> -> memref<10112x40xf32, #tpu.memory_space<hbm>>
    tpu.enqueue_indirect_dma source(%dma_start3A_49 : memref<10112x40xf32, #tpu.memory_space<hbm>>) target(%dma_start3A_43 : memref<128x40xf32, #tpu.memory_space<vmem>>) offsets(%dma_start3A_46 : memref<128xi32, #tpu.memory_space<vmem>>) semaphore(%arg14 : memref<!tpu.dma_semaphore, #tpu.memory_space<semaphore_mem>>)
    %scan3A = arith.constant 0 : i32
    %scan3A_50 = arith.constant 20 : i32
    %scan3A_51 = arith.addi %scan3A, %scan3A_50 : i32
    %scan3A_52 = arith.constant 1 : i32
    scf.for %scan3A_102 = %scan3A to %scan3A_51 step %scan3A_52  : i32 {
      %mul3A_103 = arith.constant 1 : i32
      %mul3A_104 = arith.muli %scan3A_102, %mul3A_103 : i32
      %add3A_105 = arith.constant 0 : i32
      %add3A_106 = arith.addi %add3A_105, %mul3A_104 : i32
      %mul3A_107 = arith.constant 4 : i32
      %mul3A_108 = arith.muli %mul3A_107, %add3A_106 : i32
      %add3A_109 = arith.constant 0 : i32
      %add3A_110 = arith.addi %mul3A_108, %add3A_109 : i32
      %dma_wait3A_111 = arith.constant 0 : i32
      %dma_wait3A_112 = arith.constant 0 : i32
      %dma_wait3A_113 = arith.constant 0 : i32
      %dma_wait3A_114 = tpu.memref_slice %arg9[%dma_wait3A_111, %dma_wait3A_112, %dma_wait3A_113] : memref<4x128x40xf32, #tpu.memory_space<vmem>> -> memref<1x128x40xf32, #tpu.memory_space<vmem>>
      %dma_wait3A_115 = tpu.memref_squeeze %dma_wait3A_114 : memref<1x128x40xf32, #tpu.memory_space<vmem>> -> memref<128x40xf32, #tpu.memory_space<vmem>>
      %dma_wait3A_116 = arith.constant 0 : i32
      %dma_wait3A_117 = tpu.memref_slice %arg7[%add3A_110, %dma_wait3A_116] : memref<80x128xi32, #tpu.memory_space<vmem>> -> memref<1x128xi32, #tpu.memory_space<vmem>>
      %dma_wait3A_118 = tpu.memref_squeeze %dma_wait3A_117 : memref<1x128xi32, #tpu.memory_space<vmem>> -> memref<128xi32, #tpu.memory_space<vmem>>
      %dma_wait3A_119 = arith.constant 0 : i32
      %dma_wait3A_120 = arith.constant 0 : i32
      %dma_wait3A_121 = tpu.memref_slice %arg2[%dma_wait3A_119, %dma_wait3A_120] : memref<10112x40xf32, #tpu.memory_space<hbm>> -> memref<10112x40xf32, #tpu.memory_space<hbm>>
      tpu.wait_indirect_dma semaphore(%arg11 : memref<!tpu.dma_semaphore, #tpu.memory_space<semaphore_mem>>) src(%dma_wait3A_121 : memref<10112x40xf32, #tpu.memory_space<hbm>>) dst(%dma_wait3A_115 : memref<128x40xf32, #tpu.memory_space<vmem>>)
      %add3A_122 = arith.constant 0 : i32
      %add3A_123 = arith.addi %mul3A_108, %add3A_122 : i32
      %dma_start3A_124 = arith.constant 0 : i32
      %dma_start3A_125 = arith.constant 0 : i32
      %dma_start3A_126 = arith.constant 0 : i32
      %dma_start3A_127 = tpu.memref_slice %arg9[%dma_start3A_124, %dma_start3A_125, %dma_start3A_126] : memref<4x128x40xf32, #tpu.memory_space<vmem>> -> memref<1x128x40xf32, #tpu.memory_space<vmem>>
      %dma_start3A_128 = tpu.memref_squeeze %dma_start3A_127 : memref<1x128x40xf32, #tpu.memory_space<vmem>> -> memref<128x40xf32, #tpu.memory_space<vmem>>
      %dma_start3A_129 = arith.constant 0 : i32
      %dma_start3A_130 = tpu.memref_slice %arg8[%add3A_123, %dma_start3A_129] : memref<80x128xi32, #tpu.memory_space<vmem>> -> memref<1x128xi32, #tpu.memory_space<vmem>>
      %dma_start3A_131 = tpu.memref_squeeze %dma_start3A_130 : memref<1x128xi32, #tpu.memory_space<vmem>> -> memref<128xi32, #tpu.memory_space<vmem>>
      %dma_start3A_132 = arith.constant 0 : i32
      %dma_start3A_133 = arith.constant 0 : i32
      %dma_start3A_134 = tpu.memref_slice %arg10[%dma_start3A_132, %dma_start3A_133] : memref<10112x40xf32, #tpu.memory_space<vmem_shared>> -> memref<10112x40xf32, #tpu.memory_space<vmem_shared>>
      tpu.enqueue_indirect_dma source(%dma_start3A_128 : memref<128x40xf32, #tpu.memory_space<vmem>>) target(%dma_start3A_134 : memref<10112x40xf32, #tpu.memory_space<vmem_shared>>) offsets(%dma_start3A_131 : memref<128xi32, #tpu.memory_space<vmem>>) semaphore(%arg15 : memref<!tpu.dma_semaphore, #tpu.memory_space<semaphore_mem>>) {add = true}
      %add3A_135 = arith.constant 1 : i32
      %add3A_136 = arith.addi %mul3A_108, %add3A_135 : i32
      %dma_wait3A_137 = arith.constant 1 : i32
      %dma_wait3A_138 = arith.constant 0 : i32
      %dma_wait3A_139 = arith.constant 0 : i32
      %dma_wait3A_140 = tpu.memref_slice %arg9[%dma_wait3A_137, %dma_wait3A_138, %dma_wait3A_139] : memref<4x128x40xf32, #tpu.memory_space<vmem>> -> memref<1x128x40xf32, #tpu.memory_space<vmem>>
      %dma_wait3A_141 = tpu.memref_squeeze %dma_wait3A_140 : memref<1x128x40xf32, #tpu.memory_space<vmem>> -> memref<128x40xf32, #tpu.memory_space<vmem>>
      %dma_wait3A_142 = arith.constant 0 : i32
      %dma_wait3A_143 = tpu.memref_slice %arg7[%add3A_136, %dma_wait3A_142] : memref<80x128xi32, #tpu.memory_space<vmem>> -> memref<1x128xi32, #tpu.memory_space<vmem>>
      %dma_wait3A_144 = tpu.memref_squeeze %dma_wait3A_143 : memref<1x128xi32, #tpu.memory_space<vmem>> -> memref<128xi32, #tpu.memory_space<vmem>>
      %dma_wait3A_145 = arith.constant 0 : i32
      %dma_wait3A_146 = arith.constant 0 : i32
      %dma_wait3A_147 = tpu.memref_slice %arg2[%dma_wait3A_145, %dma_wait3A_146] : memref<10112x40xf32, #tpu.memory_space<hbm>> -> memref<10112x40xf32, #tpu.memory_space<hbm>>
      tpu.wait_indirect_dma semaphore(%arg12 : memref<!tpu.dma_semaphore, #tpu.memory_space<semaphore_mem>>) src(%dma_wait3A_147 : memref<10112x40xf32, #tpu.memory_space<hbm>>) dst(%dma_wait3A_141 : memref<128x40xf32, #tpu.memory_space<vmem>>)
      %add3A_148 = arith.constant 1 : i32
      %add3A_149 = arith.addi %mul3A_108, %add3A_148 : i32
      %dma_start3A_150 = arith.constant 1 : i32
      %dma_start3A_151 = arith.constant 0 : i32
      %dma_start3A_152 = arith.constant 0 : i32
      %dma_start3A_153 = tpu.memref_slice %arg9[%dma_start3A_150, %dma_start3A_151, %dma_start3A_152] : memref<4x128x40xf32, #tpu.memory_space<vmem>> -> memref<1x128x40xf32, #tpu.memory_space<vmem>>
      %dma_start3A_154 = tpu.memref_squeeze %dma_start3A_153 : memref<1x128x40xf32, #tpu.memory_space<vmem>> -> memref<128x40xf32, #tpu.memory_space<vmem>>
      %dma_start3A_155 = arith.constant 0 : i32
      %dma_start3A_156 = tpu.memref_slice %arg8[%add3A_149, %dma_start3A_155] : memref<80x128xi32, #tpu.memory_space<vmem>> -> memref<1x128xi32, #tpu.memory_space<vmem>>
      %dma_start3A_157 = tpu.memref_squeeze %dma_start3A_156 : memref<1x128xi32, #tpu.memory_space<vmem>> -> memref<128xi32, #tpu.memory_space<vmem>>
      %dma_start3A_158 = arith.constant 0 : i32
      %dma_start3A_159 = arith.constant 0 : i32
      %dma_start3A_160 = tpu.memref_slice %arg10[%dma_start3A_158, %dma_start3A_159] : memref<10112x40xf32, #tpu.memory_space<vmem_shared>> -> memref<10112x40xf32, #tpu.memory_space<vmem_shared>>
      tpu.enqueue_indirect_dma source(%dma_start3A_154 : memref<128x40xf32, #tpu.memory_space<vmem>>) target(%dma_start3A_160 : memref<10112x40xf32, #tpu.memory_space<vmem_shared>>) offsets(%dma_start3A_157 : memref<128xi32, #tpu.memory_space<vmem>>) semaphore(%arg16 : memref<!tpu.dma_semaphore, #tpu.memory_space<semaphore_mem>>) {add = true}
      %add3A_161 = arith.constant 2 : i32
      %add3A_162 = arith.addi %mul3A_108, %add3A_161 : i32
      %dma_wait3A_163 = arith.constant 2 : i32
      %dma_wait3A_164 = arith.constant 0 : i32
      %dma_wait3A_165 = arith.constant 0 : i32
      %dma_wait3A_166 = tpu.memref_slice %arg9[%dma_wait3A_163, %dma_wait3A_164, %dma_wait3A_165] : memref<4x128x40xf32, #tpu.memory_space<vmem>> -> memref<1x128x40xf32, #tpu.memory_space<vmem>>
      %dma_wait3A_167 = tpu.memref_squeeze %dma_wait3A_166 : memref<1x128x40xf32, #tpu.memory_space<vmem>> -> memref<128x40xf32, #tpu.memory_space<vmem>>
      %dma_wait3A_168 = arith.constant 0 : i32
      %dma_wait3A_169 = tpu.memref_slice %arg7[%add3A_162, %dma_wait3A_168] : memref<80x128xi32, #tpu.memory_space<vmem>> -> memref<1x128xi32, #tpu.memory_space<vmem>>
      %dma_wait3A_170 = tpu.memref_squeeze %dma_wait3A_169 : memref<1x128xi32, #tpu.memory_space<vmem>> -> memref<128xi32, #tpu.memory_space<vmem>>
      %dma_wait3A_171 = arith.constant 0 : i32
      %dma_wait3A_172 = arith.constant 0 : i32
      %dma_wait3A_173 = tpu.memref_slice %arg2[%dma_wait3A_171, %dma_wait3A_172] : memref<10112x40xf32, #tpu.memory_space<hbm>> -> memref<10112x40xf32, #tpu.memory_space<hbm>>
      tpu.wait_indirect_dma semaphore(%arg13 : memref<!tpu.dma_semaphore, #tpu.memory_space<semaphore_mem>>) src(%dma_wait3A_173 : memref<10112x40xf32, #tpu.memory_space<hbm>>) dst(%dma_wait3A_167 : memref<128x40xf32, #tpu.memory_space<vmem>>)
      %add3A_174 = arith.constant 2 : i32
      %add3A_175 = arith.addi %mul3A_108, %add3A_174 : i32
      %dma_start3A_176 = arith.constant 2 : i32
      %dma_start3A_177 = arith.constant 0 : i32
      %dma_start3A_178 = arith.constant 0 : i32
      %dma_start3A_179 = tpu.memref_slice %arg9[%dma_start3A_176, %dma_start3A_177, %dma_start3A_178] : memref<4x128x40xf32, #tpu.memory_space<vmem>> -> memref<1x128x40xf32, #tpu.memory_space<vmem>>
      %dma_start3A_180 = tpu.memref_squeeze %dma_start3A_179 : memref<1x128x40xf32, #tpu.memory_space<vmem>> -> memref<128x40xf32, #tpu.memory_space<vmem>>
      %dma_start3A_181 = arith.constant 0 : i32
      %dma_start3A_182 = tpu.memref_slice %arg8[%add3A_175, %dma_start3A_181] : memref<80x128xi32, #tpu.memory_space<vmem>> -> memref<1x128xi32, #tpu.memory_space<vmem>>
      %dma_start3A_183 = tpu.memref_squeeze %dma_start3A_182 : memref<1x128xi32, #tpu.memory_space<vmem>> -> memref<128xi32, #tpu.memory_space<vmem>>
      %dma_start3A_184 = arith.constant 0 : i32
      %dma_start3A_185 = arith.constant 0 : i32
      %dma_start3A_186 = tpu.memref_slice %arg10[%dma_start3A_184, %dma_start3A_185] : memref<10112x40xf32, #tpu.memory_space<vmem_shared>> -> memref<10112x40xf32, #tpu.memory_space<vmem_shared>>
      tpu.enqueue_indirect_dma source(%dma_start3A_180 : memref<128x40xf32, #tpu.memory_space<vmem>>) target(%dma_start3A_186 : memref<10112x40xf32, #tpu.memory_space<vmem_shared>>) offsets(%dma_start3A_183 : memref<128xi32, #tpu.memory_space<vmem>>) semaphore(%arg17 : memref<!tpu.dma_semaphore, #tpu.memory_space<semaphore_mem>>) {add = true}
      %add3A_187 = arith.constant 3 : i32
      %add3A_188 = arith.addi %mul3A_108, %add3A_187 : i32
      %dma_wait3A_189 = arith.constant 3 : i32
      %dma_wait3A_190 = arith.constant 0 : i32
      %dma_wait3A_191 = arith.constant 0 : i32
      %dma_wait3A_192 = tpu.memref_slice %arg9[%dma_wait3A_189, %dma_wait3A_190, %dma_wait3A_191] : memref<4x128x40xf32, #tpu.memory_space<vmem>> -> memref<1x128x40xf32, #tpu.memory_space<vmem>>
      %dma_wait3A_193 = tpu.memref_squeeze %dma_wait3A_192 : memref<1x128x40xf32, #tpu.memory_space<vmem>> -> memref<128x40xf32, #tpu.memory_space<vmem>>
      %dma_wait3A_194 = arith.constant 0 : i32
      %dma_wait3A_195 = tpu.memref_slice %arg7[%add3A_188, %dma_wait3A_194] : memref<80x128xi32, #tpu.memory_space<vmem>> -> memref<1x128xi32, #tpu.memory_space<vmem>>
      %dma_wait3A_196 = tpu.memref_squeeze %dma_wait3A_195 : memref<1x128xi32, #tpu.memory_space<vmem>> -> memref<128xi32, #tpu.memory_space<vmem>>
      %dma_wait3A_197 = arith.constant 0 : i32
      %dma_wait3A_198 = arith.constant 0 : i32
      %dma_wait3A_199 = tpu.memref_slice %arg2[%dma_wait3A_197, %dma_wait3A_198] : memref<10112x40xf32, #tpu.memory_space<hbm>> -> memref<10112x40xf32, #tpu.memory_space<hbm>>
      tpu.wait_indirect_dma semaphore(%arg14 : memref<!tpu.dma_semaphore, #tpu.memory_space<semaphore_mem>>) src(%dma_wait3A_199 : memref<10112x40xf32, #tpu.memory_space<hbm>>) dst(%dma_wait3A_193 : memref<128x40xf32, #tpu.memory_space<vmem>>)
      %add3A_200 = arith.constant 3 : i32
      %add3A_201 = arith.addi %mul3A_108, %add3A_200 : i32
      %dma_start3A_202 = arith.constant 3 : i32
      %dma_start3A_203 = arith.constant 0 : i32
      %dma_start3A_204 = arith.constant 0 : i32
      %dma_start3A_205 = tpu.memref_slice %arg9[%dma_start3A_202, %dma_start3A_203, %dma_start3A_204] : memref<4x128x40xf32, #tpu.memory_space<vmem>> -> memref<1x128x40xf32, #tpu.memory_space<vmem>>
      %dma_start3A_206 = tpu.memref_squeeze %dma_start3A_205 : memref<1x128x40xf32, #tpu.memory_space<vmem>> -> memref<128x40xf32, #tpu.memory_space<vmem>>
      %dma_start3A_207 = arith.constant 0 : i32
      %dma_start3A_208 = tpu.memref_slice %arg8[%add3A_201, %dma_start3A_207] : memref<80x128xi32, #tpu.memory_space<vmem>> -> memref<1x128xi32, #tpu.memory_space<vmem>>
      %dma_start3A_209 = tpu.memref_squeeze %dma_start3A_208 : memref<1x128xi32, #tpu.memory_space<vmem>> -> memref<128xi32, #tpu.memory_space<vmem>>
      %dma_start3A_210 = arith.constant 0 : i32
      %dma_start3A_211 = arith.constant 0 : i32
      %dma_start3A_212 = tpu.memref_slice %arg10[%dma_start3A_210, %dma_start3A_211] : memref<10112x40xf32, #tpu.memory_space<vmem_shared>> -> memref<10112x40xf32, #tpu.memory_space<vmem_shared>>
      tpu.enqueue_indirect_dma source(%dma_start3A_206 : memref<128x40xf32, #tpu.memory_space<vmem>>) target(%dma_start3A_212 : memref<10112x40xf32, #tpu.memory_space<vmem_shared>>) offsets(%dma_start3A_209 : memref<128xi32, #tpu.memory_space<vmem>>) semaphore(%arg18 : memref<!tpu.dma_semaphore, #tpu.memory_space<semaphore_mem>>) {add = true}
      %add3A_213 = arith.constant 4 : i32
      %add3A_214 = arith.addi %mul3A_108, %add3A_213 : i32
      %add3A_215 = arith.constant 0 : i32
      %add3A_216 = arith.addi %add3A_214, %add3A_215 : i32
      %lt3A = arith.constant 80 : i32
      %lt3A_217 = arith.cmpi slt, %add3A_216, %lt3A : i32
      %convert_element_type3A = arith.extui %lt3A_217 : i1 to i32
      %cond3A = arith.constant 0 : i32
      %cond3A_218 = arith.cmpi ne, %convert_element_type3A, %cond3A : i32
      scf.if %cond3A_218 {
        %add3A_246 = arith.constant 0 : i32
        %add3A_247 = arith.addi %mul3A_108, %add3A_246 : i32
        %dma_wait3A_248 = arith.constant 0 : i32
        %dma_wait3A_249 = arith.constant 0 : i32
        %dma_wait3A_250 = arith.constant 0 : i32
        %dma_wait3A_251 = tpu.memref_slice %arg9[%dma_wait3A_248, %dma_wait3A_249, %dma_wait3A_250] : memref<4x128x40xf32, #tpu.memory_space<vmem>> -> memref<1x128x40xf32, #tpu.memory_space<vmem>>
        %dma_wait3A_252 = tpu.memref_squeeze %dma_wait3A_251 : memref<1x128x40xf32, #tpu.memory_space<vmem>> -> memref<128x40xf32, #tpu.memory_space<vmem>>
        %dma_wait3A_253 = arith.constant 0 : i32
        %dma_wait3A_254 = tpu.memref_slice %arg8[%add3A_247, %dma_wait3A_253] : memref<80x128xi32, #tpu.memory_space<vmem>> -> memref<1x128xi32, #tpu.memory_space<vmem>>
        %dma_wait3A_255 = tpu.memref_squeeze %dma_wait3A_254 : memref<1x128xi32, #tpu.memory_space<vmem>> -> memref<128xi32, #tpu.memory_space<vmem>>
        %dma_wait3A_256 = arith.constant 0 : i32
        %dma_wait3A_257 = arith.constant 0 : i32
        %dma_wait3A_258 = tpu.memref_slice %arg10[%dma_wait3A_256, %dma_wait3A_257] : memref<10112x40xf32, #tpu.memory_space<vmem_shared>> -> memref<10112x40xf32, #tpu.memory_space<vmem_shared>>
        tpu.wait_indirect_dma semaphore(%arg15 : memref<!tpu.dma_semaphore, #tpu.memory_space<semaphore_mem>>) src(%dma_wait3A_252 : memref<128x40xf32, #tpu.memory_space<vmem>>) dst(%dma_wait3A_258 : memref<10112x40xf32, #tpu.memory_space<vmem_shared>>)
        %add3A_259 = arith.constant 4 : i32
        %add3A_260 = arith.addi %mul3A_108, %add3A_259 : i32
        %add3A_261 = arith.constant 0 : i32
        %add3A_262 = arith.addi %add3A_260, %add3A_261 : i32
        %dma_start3A_263 = arith.constant 0 : i32
        %dma_start3A_264 = arith.constant 0 : i32
        %dma_start3A_265 = arith.constant 0 : i32
        %dma_start3A_266 = tpu.memref_slice %arg9[%dma_start3A_263, %dma_start3A_264, %dma_start3A_265] : memref<4x128x40xf32, #tpu.memory_space<vmem>> -> memref<1x128x40xf32, #tpu.memory_space<vmem>>
        %dma_start3A_267 = tpu.memref_squeeze %dma_start3A_266 : memref<1x128x40xf32, #tpu.memory_space<vmem>> -> memref<128x40xf32, #tpu.memory_space<vmem>>
        %dma_start3A_268 = arith.constant 0 : i32
        %dma_start3A_269 = tpu.memref_slice %arg7[%add3A_262, %dma_start3A_268] : memref<80x128xi32, #tpu.memory_space<vmem>> -> memref<1x128xi32, #tpu.memory_space<vmem>>
        %dma_start3A_270 = tpu.memref_squeeze %dma_start3A_269 : memref<1x128xi32, #tpu.memory_space<vmem>> -> memref<128xi32, #tpu.memory_space<vmem>>
        %dma_start3A_271 = arith.constant 0 : i32
        %dma_start3A_272 = arith.constant 0 : i32
        %dma_start3A_273 = tpu.memref_slice %arg2[%dma_start3A_271, %dma_start3A_272] : memref<10112x40xf32, #tpu.memory_space<hbm>> -> memref<10112x40xf32, #tpu.memory_space<hbm>>
        tpu.enqueue_indirect_dma source(%dma_start3A_273 : memref<10112x40xf32, #tpu.memory_space<hbm>>) target(%dma_start3A_267 : memref<128x40xf32, #tpu.memory_space<vmem>>) offsets(%dma_start3A_270 : memref<128xi32, #tpu.memory_space<vmem>>) semaphore(%arg11 : memref<!tpu.dma_semaphore, #tpu.memory_space<semaphore_mem>>)
      } else {
      }
      %add3A_219 = arith.constant 4 : i32
      %add3A_220 = arith.addi %mul3A_108, %add3A_219 : i32
      %add3A_221 = arith.constant 1 : i32
      %add3A_222 = arith.addi %add3A_220, %add3A_221 : i32
      %lt3A_223 = arith.constant 80 : i32
      %lt3A_224 = arith.cmpi slt, %add3A_222, %lt3A_223 : i32
      %convert_element_type3A_225 = arith.extui %lt3A_224 : i1 to i32
      %cond3A_226 = arith.constant 0 : i32
      %cond3A_227 = arith.cmpi ne, %convert_element_type3A_225, %cond3A_226 : i32
      scf.if %cond3A_227 {
        %add3A_246 = arith.constant 1 : i32
        %add3A_247 = arith.addi %mul3A_108, %add3A_246 : i32
        %dma_wait3A_248 = arith.constant 1 : i32
        %dma_wait3A_249 = arith.constant 0 : i32
        %dma_wait3A_250 = arith.constant 0 : i32
        %dma_wait3A_251 = tpu.memref_slice %arg9[%dma_wait3A_248, %dma_wait3A_249, %dma_wait3A_250] : memref<4x128x40xf32, #tpu.memory_space<vmem>> -> memref<1x128x40xf32, #tpu.memory_space<vmem>>
        %dma_wait3A_252 = tpu.memref_squeeze %dma_wait3A_251 : memref<1x128x40xf32, #tpu.memory_space<vmem>> -> memref<128x40xf32, #tpu.memory_space<vmem>>
        %dma_wait3A_253 = arith.constant 0 : i32
        %dma_wait3A_254 = tpu.memref_slice %arg8[%add3A_247, %dma_wait3A_253] : memref<80x128xi32, #tpu.memory_space<vmem>> -> memref<1x128xi32, #tpu.memory_space<vmem>>
        %dma_wait3A_255 = tpu.memref_squeeze %dma_wait3A_254 : memref<1x128xi32, #tpu.memory_space<vmem>> -> memref<128xi32, #tpu.memory_space<vmem>>
        %dma_wait3A_256 = arith.constant 0 : i32
        %dma_wait3A_257 = arith.constant 0 : i32
        %dma_wait3A_258 = tpu.memref_slice %arg10[%dma_wait3A_256, %dma_wait3A_257] : memref<10112x40xf32, #tpu.memory_space<vmem_shared>> -> memref<10112x40xf32, #tpu.memory_space<vmem_shared>>
        tpu.wait_indirect_dma semaphore(%arg16 : memref<!tpu.dma_semaphore, #tpu.memory_space<semaphore_mem>>) src(%dma_wait3A_252 : memref<128x40xf32, #tpu.memory_space<vmem>>) dst(%dma_wait3A_258 : memref<10112x40xf32, #tpu.memory_space<vmem_shared>>)
        %add3A_259 = arith.constant 4 : i32
        %add3A_260 = arith.addi %mul3A_108, %add3A_259 : i32
        %add3A_261 = arith.constant 1 : i32
        %add3A_262 = arith.addi %add3A_260, %add3A_261 : i32
        %dma_start3A_263 = arith.constant 1 : i32
        %dma_start3A_264 = arith.constant 0 : i32
        %dma_start3A_265 = arith.constant 0 : i32
        %dma_start3A_266 = tpu.memref_slice %arg9[%dma_start3A_263, %dma_start3A_264, %dma_start3A_265] : memref<4x128x40xf32, #tpu.memory_space<vmem>> -> memref<1x128x40xf32, #tpu.memory_space<vmem>>
        %dma_start3A_267 = tpu.memref_squeeze %dma_start3A_266 : memref<1x128x40xf32, #tpu.memory_space<vmem>> -> memref<128x40xf32, #tpu.memory_space<vmem>>
        %dma_start3A_268 = arith.constant 0 : i32
        %dma_start3A_269 = tpu.memref_slice %arg7[%add3A_262, %dma_start3A_268] : memref<80x128xi32, #tpu.memory_space<vmem>> -> memref<1x128xi32, #tpu.memory_space<vmem>>
        %dma_start3A_270 = tpu.memref_squeeze %dma_start3A_269 : memref<1x128xi32, #tpu.memory_space<vmem>> -> memref<128xi32, #tpu.memory_space<vmem>>
        %dma_start3A_271 = arith.constant 0 : i32
        %dma_start3A_272 = arith.constant 0 : i32
        %dma_start3A_273 = tpu.memref_slice %arg2[%dma_start3A_271, %dma_start3A_272] : memref<10112x40xf32, #tpu.memory_space<hbm>> -> memref<10112x40xf32, #tpu.memory_space<hbm>>
        tpu.enqueue_indirect_dma source(%dma_start3A_273 : memref<10112x40xf32, #tpu.memory_space<hbm>>) target(%dma_start3A_267 : memref<128x40xf32, #tpu.memory_space<vmem>>) offsets(%dma_start3A_270 : memref<128xi32, #tpu.memory_space<vmem>>) semaphore(%arg12 : memref<!tpu.dma_semaphore, #tpu.memory_space<semaphore_mem>>)
      } else {
      }
      %add3A_228 = arith.constant 4 : i32
      %add3A_229 = arith.addi %mul3A_108, %add3A_228 : i32
      %add3A_230 = arith.constant 2 : i32
      %add3A_231 = arith.addi %add3A_229, %add3A_230 : i32
      %lt3A_232 = arith.constant 80 : i32
      %lt3A_233 = arith.cmpi slt, %add3A_231, %lt3A_232 : i32
      %convert_element_type3A_234 = arith.extui %lt3A_233 : i1 to i32
      %cond3A_235 = arith.constant 0 : i32
      %cond3A_236 = arith.cmpi ne, %convert_element_type3A_234, %cond3A_235 : i32
      scf.if %cond3A_236 {
        %add3A_246 = arith.constant 2 : i32
        %add3A_247 = arith.addi %mul3A_108, %add3A_246 : i32
        %dma_wait3A_248 = arith.constant 2 : i32
        %dma_wait3A_249 = arith.constant 0 : i32
        %dma_wait3A_250 = arith.constant 0 : i32
        %dma_wait3A_251 = tpu.memref_slice %arg9[%dma_wait3A_248, %dma_wait3A_249, %dma_wait3A_250] : memref<4x128x40xf32, #tpu.memory_space<vmem>> -> memref<1x128x40xf32, #tpu.memory_space<vmem>>
        %dma_wait3A_252 = tpu.memref_squeeze %dma_wait3A_251 : memref<1x128x40xf32, #tpu.memory_space<vmem>> -> memref<128x40xf32, #tpu.memory_space<vmem>>
        %dma_wait3A_253 = arith.constant 0 : i32
        %dma_wait3A_254 = tpu.memref_slice %arg8[%add3A_247, %dma_wait3A_253] : memref<80x128xi32, #tpu.memory_space<vmem>> -> memref<1x128xi32, #tpu.memory_space<vmem>>
        %dma_wait3A_255 = tpu.memref_squeeze %dma_wait3A_254 : memref<1x128xi32, #tpu.memory_space<vmem>> -> memref<128xi32, #tpu.memory_space<vmem>>
        %dma_wait3A_256 = arith.constant 0 : i32
        %dma_wait3A_257 = arith.constant 0 : i32
        %dma_wait3A_258 = tpu.memref_slice %arg10[%dma_wait3A_256, %dma_wait3A_257] : memref<10112x40xf32, #tpu.memory_space<vmem_shared>> -> memref<10112x40xf32, #tpu.memory_space<vmem_shared>>
        tpu.wait_indirect_dma semaphore(%arg17 : memref<!tpu.dma_semaphore, #tpu.memory_space<semaphore_mem>>) src(%dma_wait3A_252 : memref<128x40xf32, #tpu.memory_space<vmem>>) dst(%dma_wait3A_258 : memref<10112x40xf32, #tpu.memory_space<vmem_shared>>)
        %add3A_259 = arith.constant 4 : i32
        %add3A_260 = arith.addi %mul3A_108, %add3A_259 : i32
        %add3A_261 = arith.constant 2 : i32
        %add3A_262 = arith.addi %add3A_260, %add3A_261 : i32
        %dma_start3A_263 = arith.constant 2 : i32
        %dma_start3A_264 = arith.constant 0 : i32
        %dma_start3A_265 = arith.constant 0 : i32
        %dma_start3A_266 = tpu.memref_slice %arg9[%dma_start3A_263, %dma_start3A_264, %dma_start3A_265] : memref<4x128x40xf32, #tpu.memory_space<vmem>> -> memref<1x128x40xf32, #tpu.memory_space<vmem>>
        %dma_start3A_267 = tpu.memref_squeeze %dma_start3A_266 : memref<1x128x40xf32, #tpu.memory_space<vmem>> -> memref<128x40xf32, #tpu.memory_space<vmem>>
        %dma_start3A_268 = arith.constant 0 : i32
        %dma_start3A_269 = tpu.memref_slice %arg7[%add3A_262, %dma_start3A_268] : memref<80x128xi32, #tpu.memory_space<vmem>> -> memref<1x128xi32, #tpu.memory_space<vmem>>
        %dma_start3A_270 = tpu.memref_squeeze %dma_start3A_269 : memref<1x128xi32, #tpu.memory_space<vmem>> -> memref<128xi32, #tpu.memory_space<vmem>>
        %dma_start3A_271 = arith.constant 0 : i32
        %dma_start3A_272 = arith.constant 0 : i32
        %dma_start3A_273 = tpu.memref_slice %arg2[%dma_start3A_271, %dma_start3A_272] : memref<10112x40xf32, #tpu.memory_space<hbm>> -> memref<10112x40xf32, #tpu.memory_space<hbm>>
        tpu.enqueue_indirect_dma source(%dma_start3A_273 : memref<10112x40xf32, #tpu.memory_space<hbm>>) target(%dma_start3A_267 : memref<128x40xf32, #tpu.memory_space<vmem>>) offsets(%dma_start3A_270 : memref<128xi32, #tpu.memory_space<vmem>>) semaphore(%arg13 : memref<!tpu.dma_semaphore, #tpu.memory_space<semaphore_mem>>)
      } else {
      }
      %add3A_237 = arith.constant 4 : i32
      %add3A_238 = arith.addi %mul3A_108, %add3A_237 : i32
      %add3A_239 = arith.constant 3 : i32
      %add3A_240 = arith.addi %add3A_238, %add3A_239 : i32
      %lt3A_241 = arith.constant 80 : i32
      %lt3A_242 = arith.cmpi slt, %add3A_240, %lt3A_241 : i32
      %convert_element_type3A_243 = arith.extui %lt3A_242 : i1 to i32
      %cond3A_244 = arith.constant 0 : i32
      %cond3A_245 = arith.cmpi ne, %convert_element_type3A_243, %cond3A_244 : i32
      scf.if %cond3A_245 {
        %add3A_246 = arith.constant 3 : i32
        %add3A_247 = arith.addi %mul3A_108, %add3A_246 : i32
        %dma_wait3A_248 = arith.constant 3 : i32
        %dma_wait3A_249 = arith.constant 0 : i32
        %dma_wait3A_250 = arith.constant 0 : i32
        %dma_wait3A_251 = tpu.memref_slice %arg9[%dma_wait3A_248, %dma_wait3A_249, %dma_wait3A_250] : memref<4x128x40xf32, #tpu.memory_space<vmem>> -> memref<1x128x40xf32, #tpu.memory_space<vmem>>
        %dma_wait3A_252 = tpu.memref_squeeze %dma_wait3A_251 : memref<1x128x40xf32, #tpu.memory_space<vmem>> -> memref<128x40xf32, #tpu.memory_space<vmem>>
        %dma_wait3A_253 = arith.constant 0 : i32
        %dma_wait3A_254 = tpu.memref_slice %arg8[%add3A_247, %dma_wait3A_253] : memref<80x128xi32, #tpu.memory_space<vmem>> -> memref<1x128xi32, #tpu.memory_space<vmem>>
        %dma_wait3A_255 = tpu.memref_squeeze %dma_wait3A_254 : memref<1x128xi32, #tpu.memory_space<vmem>> -> memref<128xi32, #tpu.memory_space<vmem>>
        %dma_wait3A_256 = arith.constant 0 : i32
        %dma_wait3A_257 = arith.constant 0 : i32
        %dma_wait3A_258 = tpu.memref_slice %arg10[%dma_wait3A_256, %dma_wait3A_257] : memref<10112x40xf32, #tpu.memory_space<vmem_shared>> -> memref<10112x40xf32, #tpu.memory_space<vmem_shared>>
        tpu.wait_indirect_dma semaphore(%arg18 : memref<!tpu.dma_semaphore, #tpu.memory_space<semaphore_mem>>) src(%dma_wait3A_252 : memref<128x40xf32, #tpu.memory_space<vmem>>) dst(%dma_wait3A_258 : memref<10112x40xf32, #tpu.memory_space<vmem_shared>>)
        %add3A_259 = arith.constant 4 : i32
        %add3A_260 = arith.addi %mul3A_108, %add3A_259 : i32
        %add3A_261 = arith.constant 3 : i32
        %add3A_262 = arith.addi %add3A_260, %add3A_261 : i32
        %dma_start3A_263 = arith.constant 3 : i32
        %dma_start3A_264 = arith.constant 0 : i32
        %dma_start3A_265 = arith.constant 0 : i32
        %dma_start3A_266 = tpu.memref_slice %arg9[%dma_start3A_263, %dma_start3A_264, %dma_start3A_265] : memref<4x128x40xf32, #tpu.memory_space<vmem>> -> memref<1x128x40xf32, #tpu.memory_space<vmem>>
        %dma_start3A_267 = tpu.memref_squeeze %dma_start3A_266 : memref<1x128x40xf32, #tpu.memory_space<vmem>> -> memref<128x40xf32, #tpu.memory_space<vmem>>
        %dma_start3A_268 = arith.constant 0 : i32
        %dma_start3A_269 = tpu.memref_slice %arg7[%add3A_262, %dma_start3A_268] : memref<80x128xi32, #tpu.memory_space<vmem>> -> memref<1x128xi32, #tpu.memory_space<vmem>>
        %dma_start3A_270 = tpu.memref_squeeze %dma_start3A_269 : memref<1x128xi32, #tpu.memory_space<vmem>> -> memref<128xi32, #tpu.memory_space<vmem>>
        %dma_start3A_271 = arith.constant 0 : i32
        %dma_start3A_272 = arith.constant 0 : i32
        %dma_start3A_273 = tpu.memref_slice %arg2[%dma_start3A_271, %dma_start3A_272] : memref<10112x40xf32, #tpu.memory_space<hbm>> -> memref<10112x40xf32, #tpu.memory_space<hbm>>
        tpu.enqueue_indirect_dma source(%dma_start3A_273 : memref<10112x40xf32, #tpu.memory_space<hbm>>) target(%dma_start3A_267 : memref<128x40xf32, #tpu.memory_space<vmem>>) offsets(%dma_start3A_270 : memref<128xi32, #tpu.memory_space<vmem>>) semaphore(%arg14 : memref<!tpu.dma_semaphore, #tpu.memory_space<semaphore_mem>>)
      } else {
      }
    }
    %scan3A_53 = arith.constant 20 : i32
    %dma_wait3A = arith.constant 0 : i32
    %dma_wait3A_54 = arith.constant 76 : i32
    %dma_wait3A_55 = arith.constant 0 : i32
    %dma_wait3A_56 = arith.constant 0 : i32
    %dma_wait3A_57 = tpu.memref_slice %arg9[%dma_wait3A, %dma_wait3A_55, %dma_wait3A_56] : memref<4x128x40xf32, #tpu.memory_space<vmem>> -> memref<1x128x40xf32, #tpu.memory_space<vmem>>
    %dma_wait3A_58 = tpu.memref_squeeze %dma_wait3A_57 : memref<1x128x40xf32, #tpu.memory_space<vmem>> -> memref<128x40xf32, #tpu.memory_space<vmem>>
    %dma_wait3A_59 = arith.constant 0 : i32
    %dma_wait3A_60 = tpu.memref_slice %arg8[%dma_wait3A_54, %dma_wait3A_59] : memref<80x128xi32, #tpu.memory_space<vmem>> -> memref<1x128xi32, #tpu.memory_space<vmem>>
    %dma_wait3A_61 = tpu.memref_squeeze %dma_wait3A_60 : memref<1x128xi32, #tpu.memory_space<vmem>> -> memref<128xi32, #tpu.memory_space<vmem>>
    %dma_wait3A_62 = arith.constant 0 : i32
    %dma_wait3A_63 = arith.constant 0 : i32
    %dma_wait3A_64 = tpu.memref_slice %arg10[%dma_wait3A_62, %dma_wait3A_63] : memref<10112x40xf32, #tpu.memory_space<vmem_shared>> -> memref<10112x40xf32, #tpu.memory_space<vmem_shared>>
    tpu.wait_indirect_dma semaphore(%arg15 : memref<!tpu.dma_semaphore, #tpu.memory_space<semaphore_mem>>) src(%dma_wait3A_58 : memref<128x40xf32, #tpu.memory_space<vmem>>) dst(%dma_wait3A_64 : memref<10112x40xf32, #tpu.memory_space<vmem_shared>>)
    %dma_wait3A_65 = arith.constant 1 : i32
    %dma_wait3A_66 = arith.constant 77 : i32
    %dma_wait3A_67 = arith.constant 0 : i32
    %dma_wait3A_68 = arith.constant 0 : i32
    %dma_wait3A_69 = tpu.memref_slice %arg9[%dma_wait3A_65, %dma_wait3A_67, %dma_wait3A_68] : memref<4x128x40xf32, #tpu.memory_space<vmem>> -> memref<1x128x40xf32, #tpu.memory_space<vmem>>
    %dma_wait3A_70 = tpu.memref_squeeze %dma_wait3A_69 : memref<1x128x40xf32, #tpu.memory_space<vmem>> -> memref<128x40xf32, #tpu.memory_space<vmem>>
    %dma_wait3A_71 = arith.constant 0 : i32
    %dma_wait3A_72 = tpu.memref_slice %arg8[%dma_wait3A_66, %dma_wait3A_71] : memref<80x128xi32, #tpu.memory_space<vmem>> -> memref<1x128xi32, #tpu.memory_space<vmem>>
    %dma_wait3A_73 = tpu.memref_squeeze %dma_wait3A_72 : memref<1x128xi32, #tpu.memory_space<vmem>> -> memref<128xi32, #tpu.memory_space<vmem>>
    %dma_wait3A_74 = arith.constant 0 : i32
    %dma_wait3A_75 = arith.constant 0 : i32
    %dma_wait3A_76 = tpu.memref_slice %arg10[%dma_wait3A_74, %dma_wait3A_75] : memref<10112x40xf32, #tpu.memory_space<vmem_shared>> -> memref<10112x40xf32, #tpu.memory_space<vmem_shared>>
    tpu.wait_indirect_dma semaphore(%arg16 : memref<!tpu.dma_semaphore, #tpu.memory_space<semaphore_mem>>) src(%dma_wait3A_70 : memref<128x40xf32, #tpu.memory_space<vmem>>) dst(%dma_wait3A_76 : memref<10112x40xf32, #tpu.memory_space<vmem_shared>>)
    %dma_wait3A_77 = arith.constant 2 : i32
    %dma_wait3A_78 = arith.constant 78 : i32
    %dma_wait3A_79 = arith.constant 0 : i32
    %dma_wait3A_80 = arith.constant 0 : i32
    %dma_wait3A_81 = tpu.memref_slice %arg9[%dma_wait3A_77, %dma_wait3A_79, %dma_wait3A_80] : memref<4x128x40xf32, #tpu.memory_space<vmem>> -> memref<1x128x40xf32, #tpu.memory_space<vmem>>
    %dma_wait3A_82 = tpu.memref_squeeze %dma_wait3A_81 : memref<1x128x40xf32, #tpu.memory_space<vmem>> -> memref<128x40xf32, #tpu.memory_space<vmem>>
    %dma_wait3A_83 = arith.constant 0 : i32
    %dma_wait3A_84 = tpu.memref_slice %arg8[%dma_wait3A_78, %dma_wait3A_83] : memref<80x128xi32, #tpu.memory_space<vmem>> -> memref<1x128xi32, #tpu.memory_space<vmem>>
    %dma_wait3A_85 = tpu.memref_squeeze %dma_wait3A_84 : memref<1x128xi32, #tpu.memory_space<vmem>> -> memref<128xi32, #tpu.memory_space<vmem>>
    %dma_wait3A_86 = arith.constant 0 : i32
    %dma_wait3A_87 = arith.constant 0 : i32
    %dma_wait3A_88 = tpu.memref_slice %arg10[%dma_wait3A_86, %dma_wait3A_87] : memref<10112x40xf32, #tpu.memory_space<vmem_shared>> -> memref<10112x40xf32, #tpu.memory_space<vmem_shared>>
    tpu.wait_indirect_dma semaphore(%arg17 : memref<!tpu.dma_semaphore, #tpu.memory_space<semaphore_mem>>) src(%dma_wait3A_82 : memref<128x40xf32, #tpu.memory_space<vmem>>) dst(%dma_wait3A_88 : memref<10112x40xf32, #tpu.memory_space<vmem_shared>>)
    %dma_wait3A_89 = arith.constant 3 : i32
    %dma_wait3A_90 = arith.constant 79 : i32
    %dma_wait3A_91 = arith.constant 0 : i32
    %dma_wait3A_92 = arith.constant 0 : i32
    %dma_wait3A_93 = tpu.memref_slice %arg9[%dma_wait3A_89, %dma_wait3A_91, %dma_wait3A_92] : memref<4x128x40xf32, #tpu.memory_space<vmem>> -> memref<1x128x40xf32, #tpu.memory_space<vmem>>
    %dma_wait3A_94 = tpu.memref_squeeze %dma_wait3A_93 : memref<1x128x40xf32, #tpu.memory_space<vmem>> -> memref<128x40xf32, #tpu.memory_space<vmem>>
    %dma_wait3A_95 = arith.constant 0 : i32
    %dma_wait3A_96 = tpu.memref_slice %arg8[%dma_wait3A_90, %dma_wait3A_95] : memref<80x128xi32, #tpu.memory_space<vmem>> -> memref<1x128xi32, #tpu.memory_space<vmem>>
    %dma_wait3A_97 = tpu.memref_squeeze %dma_wait3A_96 : memref<1x128xi32, #tpu.memory_space<vmem>> -> memref<128xi32, #tpu.memory_space<vmem>>
    %dma_wait3A_98 = arith.constant 0 : i32
    %dma_wait3A_99 = arith.constant 0 : i32
    %dma_wait3A_100 = tpu.memref_slice %arg10[%dma_wait3A_98, %dma_wait3A_99] : memref<10112x40xf32, #tpu.memory_space<vmem_shared>> -> memref<10112x40xf32, #tpu.memory_space<vmem_shared>>
    tpu.wait_indirect_dma semaphore(%arg18 : memref<!tpu.dma_semaphore, #tpu.memory_space<semaphore_mem>>) src(%dma_wait3A_94 : memref<128x40xf32, #tpu.memory_space<vmem>>) dst(%dma_wait3A_100 : memref<10112x40xf32, #tpu.memory_space<vmem_shared>>)
    %barrier3A_101 = arith.constant 0 : index
    tpu.barrier barrier_id(%barrier3A_101)
    "tpu.region"() ({
      %run_scoped3A = tpu.sem_alloc : memref<!tpu.dma_semaphore, #tpu.memory_space<semaphore_mem>>
      %dma_start3A_102 = arith.constant 0 : i32
      %dma_start3A_103 = tpu.memref_slice %arg6[%arg0, %mul3A_2, %dma_start3A_102] : memref<2x10112x40xf32, #tpu.memory_space<hbm>> -> memref<1x632x40xf32, #tpu.memory_space<hbm>>
      %dma_start3A_104 = tpu.memref_squeeze %dma_start3A_103 : memref<1x632x40xf32, #tpu.memory_space<hbm>> -> memref<632x40xf32, #tpu.memory_space<hbm>>
      %dma_start3A_105 = arith.constant 0 : i32
      %dma_start3A_106 = tpu.memref_slice %arg10[%mul3A_2, %dma_start3A_105] : memref<10112x40xf32, #tpu.memory_space<vmem_shared>> -> memref<632x40xf32, #tpu.memory_space<vmem_shared>>
      tpu.enqueue_dma source(%dma_start3A_106 : memref<632x40xf32, #tpu.memory_space<vmem_shared>>) target(%dma_start3A_104 : memref<632x40xf32, #tpu.memory_space<hbm>>) target_semaphore(%run_scoped3A : memref<!tpu.dma_semaphore, #tpu.memory_space<semaphore_mem>>)
      %dma_wait3A_107 = arith.constant 0 : i32
      %dma_wait3A_108 = tpu.memref_slice %arg6[%arg0, %mul3A_2, %dma_wait3A_107] : memref<2x10112x40xf32, #tpu.memory_space<hbm>> -> memref<1x632x40xf32, #tpu.memory_space<hbm>>
      %dma_wait3A_109 = tpu.memref_squeeze %dma_wait3A_108 : memref<1x632x40xf32, #tpu.memory_space<hbm>> -> memref<632x40xf32, #tpu.memory_space<hbm>>
      %dma_wait3A_110 = arith.constant 0 : i32
      %dma_wait3A_111 = tpu.memref_slice %arg10[%mul3A_2, %dma_wait3A_110] : memref<10112x40xf32, #tpu.memory_space<vmem_shared>> -> memref<632x40xf32, #tpu.memory_space<vmem_shared>>
      tpu.wait_dma2 semaphore(%run_scoped3A : memref<!tpu.dma_semaphore, #tpu.memory_space<semaphore_mem>>) src(%dma_wait3A_111 : memref<632x40xf32, #tpu.memory_space<vmem_shared>>) dst(%dma_wait3A_109 : memref<632x40xf32, #tpu.memory_space<hbm>>)
      tpu.yield
    }) : () -> ()
    return
  }
}

module attributes {stable_mosaic.version = 14 : i64} {
  func.func @body(%arg0: i32, %arg1: memref<2x1264x8xf32, #tpu.memory_space<vmem>>, %arg2: memref<1264x128xf32, #tpu.memory_space<vmem>>, %arg3: memref<128x40xf32, #tpu.memory_space<vmem>>, %arg4: memref<1264x40xf32, #tpu.memory_space<vmem>>, %arg5: memref<1264x8xf32, #tpu.memory_space<vmem>>) attributes {dimension_semantics = [#tpu.dimension_semantics<arbitrary>], iteration_bounds = array<i64: 8>, scalar_prefetch = 0 : i64, scratch_operands = 0 : i64, tpu.core_type = #tpu.core_type<tc>, window_params = [{transform_indices = @transform_0, window_bounds = array<i64: 2, 1264, 8>}, {transform_indices = @transform_1, window_bounds = array<i64: 1264, 128>}, {pipeline_mode = #tpu.pipeline_mode<synchronous>, transform_indices = @transform_2, window_bounds = array<i64: 128, 40>}, {transform_indices = @transform_3, window_bounds = array<i64: 1264, 40>}, {transform_indices = @transform_4, window_bounds = array<i64: 1264, 8>}]} {
    %get3A = arith.constant 0 : index
    %get3A_0 = arith.constant 0 : index
    %get3A_1 = vector.load %arg2[%get3A, %get3A_0] : memref<1264x128xf32, #tpu.memory_space<vmem>>, vector<1264x128xf32>
    %get3A_2 = arith.constant 0 : index
    %get3A_3 = arith.constant 0 : index
    %get3A_4 = vector.load %arg3[%get3A_2, %get3A_3] : memref<128x40xf32, #tpu.memory_space<vmem>>, vector<128x40xf32>
    %dot_general3A = arith.constant dense<0.000000e+00> : vector<1264x40xf32>
    %dot_general3A_5 = tpu.matmul %get3A_1, %get3A_4, %dot_general3A {dimension_numbers = #tpu.dot_dimension_numbers<[1], [0], [0], [1], [0, 0, 1, 1], [], []>, transpose_lhs_hint = false} : vector<1264x128xf32>, vector<128x40xf32>, vector<1264x40xf32> -> vector<1264x40xf32>
    %get3A_6 = arith.constant 0 : index
    %get3A_7 = arith.constant 0 : index
    %get3A_8 = arith.constant 0 : index
    %get3A_9 = vector.load %arg1[%get3A_6, %get3A_7, %get3A_8] : memref<2x1264x8xf32, #tpu.memory_space<vmem>>, vector<1x1264x8xf32>
    %get3A_10 = vector.shape_cast %get3A_9 : vector<1x1264x8xf32> to vector<1264x8xf32>
    %get3A_11 = arith.constant 1 : index
    %get3A_12 = arith.constant 0 : index
    %get3A_13 = arith.constant 0 : index
    %get3A_14 = vector.load %arg1[%get3A_11, %get3A_12, %get3A_13] : memref<2x1264x8xf32, #tpu.memory_space<vmem>>, vector<1x1264x8xf32>
    %get3A_15 = vector.shape_cast %get3A_14 : vector<1x1264x8xf32> to vector<1264x8xf32>
    %add3A = arith.addf %get3A_10, %get3A_15 : vector<1264x8xf32>
    %add3A_16 = arith.constant 1.000000e+00 : f32
    %add3A_17 = vector.broadcast %add3A_16 : f32 to vector<1264x8xf32>
    %add3A_18 = arith.addf %add3A, %add3A_17 : vector<1264x8xf32>
    %iota3A = tpu.iota {dimensions = array<i32: 0>} : vector<1264x8xi32>
    %mul3A = arith.constant 1264 : i32
    %mul3A_19 = arith.muli %arg0, %mul3A : i32
    %add3A_20 = vector.broadcast %mul3A_19 : i32 to vector<1264x8xi32>
    %add3A_21 = arith.addi %iota3A, %add3A_20 : vector<1264x8xi32>
    %lt3A = arith.constant 10000 : i32
    %lt3A_22 = vector.broadcast %lt3A : i32 to vector<1264x8xi32>
    %lt3A_23 = arith.cmpi slt, %add3A_21, %lt3A_22 : vector<1264x8xi32>
    %rsqrt3A = math.rsqrt %add3A_18 : vector<1264x8xf32>
    %jit3A = arith.constant 0.000000e+00 : f32
    %broadcast_in_dim3A = vector.broadcast %jit3A : f32 to vector<1264x8xf32>
    %select_n3A = arith.select %lt3A_23, %rsqrt3A, %broadcast_in_dim3A : vector<1264x8xi1>, vector<1264x8xf32>
    %swap3A = arith.constant 0 : index
    %swap3A_24 = arith.constant 0 : index
    %swap3A_25 = vector.load %arg5[%swap3A, %swap3A_24] : memref<1264x8xf32, #tpu.memory_space<vmem>>, vector<1264x8xf32>
    tpu.vector_store %arg5[%swap3A, %swap3A_24], %select_n3A {strides = array<i32>} : memref<1264x8xf32, #tpu.memory_space<vmem>>, vector<1264x8xf32>,
    %slice3A = vector.extract_strided_slice %select_n3A {offsets = [0, 0], sizes = [1264, 1], strides = [1, 1]} : vector<1264x8xf32> to vector<1264x1xf32>
    %mul3A_26 = vector.broadcast %slice3A : vector<1264x1xf32> to vector<1264x40xf32>
    %mul3A_27 = arith.mulf %dot_general3A_5, %mul3A_26 : vector<1264x40xf32>
    %swap3A_28 = arith.constant 0 : index
    %swap3A_29 = arith.constant 0 : index
    %swap3A_30 = vector.load %arg4[%swap3A_28, %swap3A_29] : memref<1264x40xf32, #tpu.memory_space<vmem>>, vector<1264x40xf32>
    tpu.vector_store %arg4[%swap3A_28, %swap3A_29], %mul3A_27 {strides = array<i32>} : memref<1264x40xf32, #tpu.memory_space<vmem>>, vector<1264x40xf32>,
    return
  }
  func.func @transform_0(%arg0: i32) -> (i32, i32, i32) {
    %c0_i32 = arith.constant 0 : i32
    %c0_i32_0 = arith.constant 0 : i32
    %c0_i32_1 = arith.constant 0 : i32
    return %c0_i32, %arg0, %c0_i32_0 : i32, i32, i32
  }
  func.func @transform_1(%arg0: i32) -> (i32, i32) {
    %c0_i32 = arith.constant 0 : i32
    %c0_i32_0 = arith.constant 0 : i32
    return %arg0, %c0_i32 : i32, i32
  }
  func.func @transform_2(%arg0: i32) -> (i32, i32) {
    %c0_i32 = arith.constant 0 : i32
    %c0_i32_0 = arith.constant 0 : i32
    %c0_i32_1 = arith.constant 0 : i32
    return %c0_i32, %c0_i32_0 : i32, i32
  }
  func.func @transform_3(%arg0: i32) -> (i32, i32) {
    %c0_i32 = arith.constant 0 : i32
    %c0_i32_0 = arith.constant 0 : i32
    return %arg0, %c0_i32 : i32, i32
  }
  func.func @transform_4(%arg0: i32) -> (i32, i32) {
    %c0_i32 = arith.constant 0 : i32
    %c0_i32_0 = arith.constant 0 : i32
    return %arg0, %c0_i32 : i32, i32
  }
}

module attributes {stable_mosaic.version = 14 : i64} {
  func.func @body(%arg0: i32, %arg1: memref<2x1264x40xf32, #tpu.memory_space<vmem>>, %arg2: memref<1264x40xf32, #tpu.memory_space<vmem>>, %arg3: memref<1264x8xf32, #tpu.memory_space<vmem>>, %arg4: memref<1264x40xf32, #tpu.memory_space<vmem>>) attributes {dimension_semantics = [#tpu.dimension_semantics<arbitrary>], iteration_bounds = array<i64: 8>, scalar_prefetch = 0 : i64, scratch_operands = 0 : i64, tpu.core_type = #tpu.core_type<tc>, window_params = [{transform_indices = @transform_0, window_bounds = array<i64: 2, 1264, 40>}, {transform_indices = @transform_1, window_bounds = array<i64: 1264, 40>}, {transform_indices = @transform_2, window_bounds = array<i64: 1264, 8>}, {transform_indices = @transform_3, window_bounds = array<i64: 1264, 40>}]} {
    %get3A = arith.constant 0 : index
    %get3A_0 = arith.constant 0 : index
    %get3A_1 = vector.load %arg3[%get3A, %get3A_0] : memref<1264x8xf32, #tpu.memory_space<vmem>>, vector<1264x1xf32>
    %get3A_2 = arith.constant 0 : index
    %get3A_3 = arith.constant 0 : index
    %get3A_4 = arith.constant 0 : index
    %get3A_5 = vector.load %arg1[%get3A_2, %get3A_3, %get3A_4] : memref<2x1264x40xf32, #tpu.memory_space<vmem>>, vector<1x1264x40xf32>
    %get3A_6 = vector.shape_cast %get3A_5 : vector<1x1264x40xf32> to vector<1264x40xf32>
    %get3A_7 = arith.constant 1 : index
    %get3A_8 = arith.constant 0 : index
    %get3A_9 = arith.constant 0 : index
    %get3A_10 = vector.load %arg1[%get3A_7, %get3A_8, %get3A_9] : memref<2x1264x40xf32, #tpu.memory_space<vmem>>, vector<1x1264x40xf32>
    %get3A_11 = vector.shape_cast %get3A_10 : vector<1x1264x40xf32> to vector<1264x40xf32>
    %add3A = arith.addf %get3A_6, %get3A_11 : vector<1264x40xf32>
    %get3A_12 = arith.constant 0 : index
    %get3A_13 = arith.constant 0 : index
    %get3A_14 = vector.load %arg2[%get3A_12, %get3A_13] : memref<1264x40xf32, #tpu.memory_space<vmem>>, vector<1264x40xf32>
    %add3A_15 = arith.addf %add3A, %get3A_14 : vector<1264x40xf32>
    %mul3A = arith.mulf %get3A_1, %get3A_1 : vector<1264x1xf32>
    %mul3A_16 = vector.broadcast %mul3A : vector<1264x1xf32> to vector<1264x40xf32>
    %mul3A_17 = arith.mulf %add3A_15, %mul3A_16 : vector<1264x40xf32>
    %swap3A = arith.constant 0 : index
    %swap3A_18 = arith.constant 0 : index
    %swap3A_19 = vector.load %arg4[%swap3A, %swap3A_18] : memref<1264x40xf32, #tpu.memory_space<vmem>>, vector<1264x40xf32>
    tpu.vector_store %arg4[%swap3A, %swap3A_18], %mul3A_17 {strides = array<i32>} : memref<1264x40xf32, #tpu.memory_space<vmem>>, vector<1264x40xf32>,
    return
  }
  func.func @transform_0(%arg0: i32) -> (i32, i32, i32) {
    %c0_i32 = arith.constant 0 : i32
    %c0_i32_0 = arith.constant 0 : i32
    %c0_i32_1 = arith.constant 0 : i32
    return %c0_i32, %arg0, %c0_i32_0 : i32, i32, i32
  }
  func.func @transform_1(%arg0: i32) -> (i32, i32) {
    %c0_i32 = arith.constant 0 : i32
    %c0_i32_0 = arith.constant 0 : i32
    return %arg0, %c0_i32 : i32, i32
  }
  func.func @transform_2(%arg0: i32) -> (i32, i32) {
    %c0_i32 = arith.constant 0 : i32
    %c0_i32_0 = arith.constant 0 : i32
    return %arg0, %c0_i32 : i32, i32
  }
  func.func @transform_3(%arg0: i32) -> (i32, i32) {
    %c0_i32 = arith.constant 0 : i32
    %c0_i32_0 = arith.constant 0 : i32
    return %arg0, %c0_i32 : i32, i32
  }
}

module attributes {stable_mosaic.version = 14 : i64} {
  func.func @body(%arg0: i32, %arg1: memref<2x400x40xf32, #tpu.memory_space<vmem>>, %arg2: memref<400x40xf32, #tpu.memory_space<vmem>>, %arg3: memref<400x8xf32, #tpu.memory_space<vmem>>, %arg4: memref<8x40xf32, #tpu.memory_space<vmem>>, %arg5: memref<400x40xf32, #tpu.memory_space<vmem>>) attributes {dimension_semantics = [#tpu.dimension_semantics<arbitrary>], iteration_bounds = array<i64: 25>, scalar_prefetch = 0 : i64, scratch_operands = 0 : i64, tpu.core_type = #tpu.core_type<tc>, window_params = [{transform_indices = @transform_0, window_bounds = array<i64: 2, 400, 40>}, {transform_indices = @transform_1, window_bounds = array<i64: 400, 40>}, {transform_indices = @transform_2, window_bounds = array<i64: 400, 8>}, {pipeline_mode = #tpu.pipeline_mode<synchronous>, transform_indices = @transform_3, window_bounds = array<i64: 8, 40>}, {transform_indices = @transform_4, window_bounds = array<i64: 400, 40>}]} {
    %get3A = arith.constant 0 : index
    %get3A_0 = arith.constant 0 : index
    %get3A_1 = arith.constant 0 : index
    %get3A_2 = vector.load %arg1[%get3A, %get3A_0, %get3A_1] : memref<2x400x40xf32, #tpu.memory_space<vmem>>, vector<1x400x40xf32>
    %get3A_3 = vector.shape_cast %get3A_2 : vector<1x400x40xf32> to vector<400x40xf32>
    %get3A_4 = arith.constant 1 : index
    %get3A_5 = arith.constant 0 : index
    %get3A_6 = arith.constant 0 : index
    %get3A_7 = vector.load %arg1[%get3A_4, %get3A_5, %get3A_6] : memref<2x400x40xf32, #tpu.memory_space<vmem>>, vector<1x400x40xf32>
    %get3A_8 = vector.shape_cast %get3A_7 : vector<1x400x40xf32> to vector<400x40xf32>
    %add3A = arith.addf %get3A_3, %get3A_8 : vector<400x40xf32>
    %get3A_9 = arith.constant 0 : index
    %get3A_10 = arith.constant 0 : index
    %get3A_11 = vector.load %arg2[%get3A_9, %get3A_10] : memref<400x40xf32, #tpu.memory_space<vmem>>, vector<400x40xf32>
    %add3A_12 = arith.addf %add3A, %get3A_11 : vector<400x40xf32>
    %get3A_13 = arith.constant 0 : index
    %get3A_14 = arith.constant 0 : index
    %get3A_15 = vector.load %arg3[%get3A_13, %get3A_14] : memref<400x8xf32, #tpu.memory_space<vmem>>, vector<400x1xf32>
    %mul3A = vector.broadcast %get3A_15 : vector<400x1xf32> to vector<400x40xf32>
    %mul3A_16 = arith.mulf %add3A_12, %mul3A : vector<400x40xf32>
    %get3A_17 = arith.constant 0 : index
    %get3A_18 = arith.constant 0 : index
    %get3A_19 = vector.load %arg4[%get3A_17, %get3A_18] : memref<8x40xf32, #tpu.memory_space<vmem>>, vector<1x40xf32>
    %add3A_20 = vector.broadcast %get3A_19 : vector<1x40xf32> to vector<400x40xf32>
    %add3A_21 = arith.addf %mul3A_16, %add3A_20 : vector<400x40xf32>
    %reduce_max3A = arith.constant dense<0xFF800000> : vector<400xf32>
    %reduce_max3A_22 = vector.multi_reduction <maximumf>, %add3A_21, %reduce_max3A [1] : vector<400x40xf32> to vector<400xf32>
    %broadcast_in_dim3A = vector.shape_cast %reduce_max3A_22 : vector<400xf32> to vector<400x1xf32>
    %sub3A = vector.broadcast %broadcast_in_dim3A : vector<400x1xf32> to vector<400x40xf32>
    %sub3A_23 = arith.subf %add3A_21, %sub3A : vector<400x40xf32>
    %exp3A = math.exp %sub3A_23 : vector<400x40xf32>
    %reduce_sum3A = arith.constant dense<0.000000e+00> : vector<400xf32>
    %reduce_sum3A_24 = vector.multi_reduction <add>, %exp3A, %reduce_sum3A [1] : vector<400x40xf32> to vector<400xf32>
    %broadcast_in_dim3A_25 = vector.shape_cast %reduce_sum3A_24 : vector<400xf32> to vector<400x1xf32>
    %sub3A_26 = vector.broadcast %broadcast_in_dim3A : vector<400x1xf32> to vector<400x40xf32>
    %sub3A_27 = arith.subf %add3A_21, %sub3A_26 : vector<400x40xf32>
    %log3A = math.log %broadcast_in_dim3A_25 : vector<400x1xf32>
    %sub3A_28 = vector.broadcast %log3A : vector<400x1xf32> to vector<400x40xf32>
    %sub3A_29 = arith.subf %sub3A_27, %sub3A_28 : vector<400x40xf32>
    %swap3A = arith.constant 0 : index
    %swap3A_30 = arith.constant 0 : index
    %swap3A_31 = vector.load %arg5[%swap3A, %swap3A_30] : memref<400x40xf32, #tpu.memory_space<vmem>>, vector<400x40xf32>
    tpu.vector_store %arg5[%swap3A, %swap3A_30], %sub3A_29 {strides = array<i32>} : memref<400x40xf32, #tpu.memory_space<vmem>>, vector<400x40xf32>,
    return
  }
  func.func @transform_0(%arg0: i32) -> (i32, i32, i32) {
    %c0_i32 = arith.constant 0 : i32
    %c0_i32_0 = arith.constant 0 : i32
    %c0_i32_1 = arith.constant 0 : i32
    return %c0_i32, %arg0, %c0_i32_0 : i32, i32, i32
  }
  func.func @transform_1(%arg0: i32) -> (i32, i32) {
    %c0_i32 = arith.constant 0 : i32
    %c0_i32_0 = arith.constant 0 : i32
    return %arg0, %c0_i32 : i32, i32
  }
  func.func @transform_2(%arg0: i32) -> (i32, i32) {
    %c0_i32 = arith.constant 0 : i32
    %c0_i32_0 = arith.constant 0 : i32
    return %arg0, %c0_i32 : i32, i32
  }
  func.func @transform_3(%arg0: i32) -> (i32, i32) {
    %c0_i32 = arith.constant 0 : i32
    %c0_i32_0 = arith.constant 0 : i32
    %c0_i32_1 = arith.constant 0 : i32
    return %c0_i32, %c0_i32_0 : i32, i32
  }
  func.func @transform_4(%arg0: i32) -> (i32, i32) {
    %c0_i32 = arith.constant 0 : i32
    %c0_i32_0 = arith.constant 0 : i32
    return %arg0, %c0_i32 : i32, i32
  }
}

</mosaic_0001>

<sc_bundles>
// kernel: kernel.11.cloned.1.call-start
scs
__scs_entry_jumppad:
0x0: {  	(pc) =	sbr.rel $0x88, $3  }
0x1: {  	(tag) =	ssettag $0x0;
	lr =	simm.s32 $0x1  }
0x2: {  	[smem:$0x3F9D] =	sst lr;
	_ =	strace $0xD0000000  }
0x3: {  	_ = 	snop  }
0x4: {  	_ = 	snop  }
0x5: {  	_ = 	snop  }
0x6: {  	_ = 	snop  }
0x7: {  	_ = 	snop  }
__scs_overlays_trampoline_lowered:
0x8: {  	[smem:$0x3FAC] =	sst s0  }
0x9: {  	[smem:$0x3FAD] =	sst s1  }
0xa: {  	[smem:$0x3FAE] =	sst s2  }
0xb: {  	[smem:$0x3FAF] =	sst s3  }
0xc: {  	[smem:$0x3FB0] =	sst s4  }
0xd: {  	[smem:$0x3FB1] =	sst s5  }
0xe: {  	[smem:$0x3FB2] =	sst s6  }
0xf: {  	[smem:$0x3FB3] =	sst s7  }
0x10: {  	[smem:$0x3FB4] =	sst s8  }
0x11: {  	[smem:$0x3FB5] =	sst s9;
	s0 =	simm.s32 @!p0 $0x0  }
0x12: {  	s1 =	sld [smem:$0x3F9B];
	s0 =	simm.s32 @p0 $0x1  }
0x13: {  	[smem:$0x3FB6] =	sst s0;
	s0 =	simm.s32 @!p1 $0x0  }
0x14: {  	s2 =	sld [smem:$0x3F9A];
	s0 =	simm.s32 @p1 $0x1  }
0x15: {  	[smem:$0x3FB7] =	sst s0;
	s0 =	simm.s32 @!p2 $0x0  }
0x16: {  	s3 =	sld [smem:$0x3FDB];
	s0 =	simm.s32 @p2 $0x1  }
0x17: {  	s4 =	simm.s32 $0x1BF5;
	[smem:$0x3FB9] =	sst s0  }
0x18: {  	s0 =	sld [smem:$0x3F9C];
	_ =	swait.ge [sflag:s4], $0x0  }
0x19: {  	s7 =	sld [smem:$0x3F9D]  }
0x1a: {  	s8 =	sadd.s32 $0xFFFFE003, lr  }
0x1b: {  	s9 =	sadd.s32 $0xFFFFFEF7, lr;
	s5 =	simm.s32 $0xFFFFFFFF;
	p2 =	slt.u32 s8, $0xFFFFF086  }
0x1c: {  	p1 =	slt.u32 s9, $0xF7A;
	s5 =	simm.s32 @!p2 $0x0  }
0x1d: {  	s5 =	simm.s32 @p1 $0x1;
	p0 =	seq.s32 s7, s2  }
0x1e: {  	s7 =	smul.u32 @!p0 $0xF7A, s2;
	p2 =	seq.s32 @!p0 s5, $0x0  }
0x1f: {  	s9 =	smul.u32 $0xF7A, s1;
	s8 =	simm.s32 @!p0 $0x1BF5;
	p2 =	por !p2, p0  }
0x20: {  	[sflag:s8] =	ssyncset.s32 @!p0 $0xFFFFF086;
	s6 =	sadd.s32 @!p0 s3, s7;
	s7 =	simm.s32 @!p0 $0x108  }
0x21: {  	s3 =	sadd.s32 s3, s9;
	s6 =	sadd.s32 @!p0 $0x88, s6;
	s7 =	simm.s32 @p2 $0x1082  }
0x22: {  	[simem:s7], [sflag:s8] =	dma.local @!p0 [hbm:s6], $0xF7A  }
0x23: {  	s9 =	sor.u32 $0xD0000000, s2;
	s6 =	simm.s32 $0x108;
	_ =	swait.ge @!p0 [sflag:s8], $0x0  }
0x24: {  	s3 =	sadd.s32 $0x88, s3;
	s6 =	simm.s32 @!p1 $0x1082;
	[sflag:s4] =	ssyncset.s32 $0xFFFFF086  }
0x25: {  	[simem:s6], [sflag:s4] =	dma.local [hbm:s3], $0xF7A  }
0x26: {  	[smem:$0x3F9D] =	sst s1;
	(tag) =	ssettag s2;
	_ =	strace s9  }
0x27: {  	s1 =	sld [smem:$0x3FAD]  }
0x28: {  	s2 =	sld [smem:$0x3FAE]  }
0x29: {  	s4 =	sld [smem:$0x3FB0]  }
0x2a: {  	p0 =	seq.s32 s5, $0x0;
	s5 =	sld [smem:$0x3FB1]  }
0x2b: {  	s6 =	sld [smem:$0x3FB2]  }
0x2c: {  	s7 =	sld [smem:$0x3FB3]  }
0x2d: {  	s3 =	simm.s32 $0x108;
	s8 =	sld [smem:$0x3FB4]  }
0x2e: {  	s3 =	simm.s32 @!p0 $0x1082;
	s9 =	sld [smem:$0x3FB5]  }
0x2f: {  	lr =	sadd.s32 s0, s3;
	s0 =	sld [smem:$0x3FAC]  }
0x30: {  	s3 =	sld [smem:$0x3FAF]  }
0x31: {  	[smem:$0x3FB8] =	sst s10  }
0x32: {  	s10 =	sld [smem:$0x3FB6];
	_ =	sdelay $0x3  }
0x33: {  	p0 =	seq.s32 s10, $0x1;
	s10 =	sld [smem:$0x3FB8];
	_ =	sdelay $0x3  }
0x34: {  	[smem:$0x3FB8] =	sst s10  }
0x35: {  	s10 =	sld [smem:$0x3FB7];
	_ =	sdelay $0x3  }
0x36: {  	p1 =	seq.s32 s10, $0x1;
	s10 =	sld [smem:$0x3FB8];
	_ =	sdelay $0x3  }
0x37: {  	[smem:$0x3FB8] =	sst s10  }
0x38: {  	s10 =	sld [smem:$0x3FB9]  }
0x39: {  	_ = 	snop;
	(pc) =	sbr.ind lr, $3  }
0x3a: {  	_ = 	snop  }
0x3b: {  	_ = 	snop  }
0x3c: {  	p2 =	seq.s32 s10, $0x1;
	s10 =	sld [smem:$0x3FB8]  }
0x3d: {  	_ =	shalt  }
0x3e: {  	_ =	shalt  }
0x3f: {  	_ =	shalt  }
0x40: {  	_ =	shalt  }
0x41: {  	_ =	shalt  }
0x42: {  	_ =	shalt  }
0x43: {  	_ =	shalt  }
0x44: {  	_ =	shalt  }
0x45: {  	_ =	shalt  }
0x46: {  	_ =	shalt  }
0x47: {  	_ =	shalt  }
0x48: {  	_ =	shalt  }
0x49: {  	_ =	shalt  }
0x4a: {  	_ =	shalt  }
0x4b: {  	_ =	shalt  }
0x4c: {  	_ =	shalt  }
0x4d: {  	_ =	shalt  }
0x4e: {  	_ =	shalt  }
0x4f: {  	_ =	shalt  }
0x50: {  	_ =	shalt  }
0x51: {  	_ =	shalt  }
0x52: {  	_ =	shalt  }
0x53: {  	_ =	shalt  }
0x54: {  	_ =	shalt  }
0x55: {  	_ =	shalt  }
0x56: {  	_ =	shalt  }
0x57: {  	_ =	shalt  }
0x58: {  	_ =	shalt  }
0x59: {  	_ =	shalt  }
0x5a: {  	_ =	shalt  }
0x5b: {  	_ =	shalt  }
0x5c: {  	_ =	shalt  }
0x5d: {  	_ =	shalt  }
0x5e: {  	_ =	shalt  }
0x5f: {  	_ =	shalt  }
0x60: {  	_ =	shalt  }
0x61: {  	_ =	shalt  }
0x62: {  	_ =	shalt  }
0x63: {  	_ =	shalt  }
0x64: {  	_ =	shalt  }
0x65: {  	_ =	shalt  }
0x66: {  	_ =	shalt  }
0x67: {  	_ =	shalt  }
0x68: {  	_ =	shalt  }
0x69: {  	_ =	shalt  }
0x6a: {  	_ =	shalt  }
0x6b: {  	_ =	shalt  }
0x6c: {  	_ =	shalt  }
0x6d: {  	_ =	shalt  }
0x6e: {  	_ =	shalt  }
0x6f: {  	_ =	shalt  }
0x70: {  	_ =	shalt  }
0x71: {  	_ =	shalt  }
0x72: {  	_ =	shalt  }
0x73: {  	_ =	shalt  }
0x74: {  	_ =	shalt  }
0x75: {  	_ =	shalt  }
0x76: {  	_ =	shalt  }
0x77: {  	_ =	shalt  }
0x78: {  	_ =	shalt  }
0x79: {  	_ =	shalt  }
0x7a: {  	_ =	shalt  }
0x7b: {  	_ =	shalt  }
0x7c: {  	_ =	shalt  }
0x7d: {  	_ =	shalt  }
0x7e: {  	_ =	shalt  }
0x7f: {  	_ =	shalt  }
0x80: {  	_ =	shalt  }
0x81: {  	_ =	shalt  }
0x82: {  	_ =	shalt  }
0x83: {  	_ =	shalt  }
0x84: {  	_ =	shalt  }
0x85: {  	_ =	shalt  }
0x86: {  	_ =	shalt  }
0x87: {  	_ =	shalt  }
.Lfunc_end0:
.L_simem_size_0:
called_computation.1_lowered:
.L_overlay_start_0:
0x88: {  	s2 =	sld [smem:$0x3FD9]  }
0x89: {  	s3 =	sld [smem:$0x3FFE];
	_ =	sdelay $0x1  }
0x8a: {  	s1 =	srdreg.scid  }
0x8b: {  	s0 =	sand.u32 $0x1, s1  }
0x8c: {  	s17 =	sshll.u32 s0, $0xA;
	s2 =	sadd.s32 s3, s2  }
0x8d: {  	s2 =	sadd.s32 s2, s17  }
0x8e: {  	[smem:$0x3FC4] =	sst s2  }
0x8f: {  	_ = 	snop  }
0x90: {  	s2 =	sld [smem:$0x3FD0];
	(tm) =	ssettm $0x1  }
0x91: {  	s18 =	sld [smem:$0x3FFB];
	_ =	sdelay $0x3  }
0x92: {  	_ =	strace s18  }
0x93: {  	s3 =	sld [smem:$0x3FFC];
	_ =	sdelay $0x3  }
0x94: {  	_ =	strace s3  }
0x95: {  	s3 =	sld [smem:$0x3FFD];
	_ =	sdelay $0x3  }
0x96: {  	_ =	strace s3  }
0x97: {  	_ =	strace $0x8FFFFFFF  }
0x98: {  	s19 =	sld [smem:$0x3FDB];
	_ =	sdelay $0x1  }
0x99: {  	s4 =	simm.s32 $_scs_section_size  }
0x9a: {  	s5 =	simm.s32 $_size__tile_overlayer_lowered;
	s6 =	simm.s32 $_tile_overlayer_lowered  }
0x9b: {  	s22 =	simm.s32 $0x1BFF;
	s21 =	sshll.u32 s6, $0x1;
	s3 =	sadd.s32 s4, s19  }
0x9c: {  	s7 =	simm.s32 $0x0;
	s20 =	sshll.u32 s5, $0x1;
	s5 =	sadd.s32 s21, s3  }
0x9d: {  	[timem:s7], [sflag:s22] =	dma.local [hbm:s5], s20  }
0x9e: {  	_ =	swait.ge [sflag:s22], s20  }
0x9f: {  	s4 =	ssub.s32 $0x0, s20;
	[sflag:s22] =	ssyncset.done $0x0  }
0xa0: {  	[sflag:s22] =	ssyncadd.s32 s4;
	_ =	sdelay $0x1  }
0xa1: {  	s23 =	simm.s32 $0x1B8B  }
0xa2: {  	_ =	swait.ge [sflag:s23], $0x1  }
0xa3: {  	[sflag:s23] =	ssyncset.done $0x0  }
0xa4: {  	s25 =	simm.s32 $0x1B8E;
	s24 =	sld [smem:$0x3FFE];
	[sflag:s23] =	ssyncadd.s32 $0xFFFFFFFF  }
0xa5: {  	s26 =	simm.s32 $execute0_lowered;
	[smem:$0x3FD2] =	sst s25  }
0xa6: {  	s5 =	sshll.u32 s26, $0x1;
	_ =	strace $0x80000049;
	[dreg:$0x1] =	wrdreg $0xFFFFFFFF  }
0xa7: {  	s28 =	simm.s32 $_size_execute0_lowered;
	s3 =	sadd.s32 s3, s5;
	[dreg:$0x0] =	wrdreg $0x0  }
0xa8: {  	s5 =	sshll.u32 s28, $0x1;
	[dreg:$0x2] =	wrdreg s3  }
0xa9: {  	[dreg:$0x3] =	wrdreg s5  }
0xaa: {  	[dreg:$0x4] =	wrdreg $0xC0  }
0xab: {  	_ =	task [dreg:s7], $0x5FFFF  }
0xac: {  	[dreg:$0x1] =	wrdreg $0xFFFFFFFF  }
0xad: {  	[dreg:$0x0] =	wrdreg $0x60  }
0xae: {  	[dreg:$0x2] =	wrdreg s2  }
0xaf: {  	[dreg:$0x3] =	wrdreg s24  }
0xb0: {  	[dreg:$0x4] =	wrdreg $0xA0000  }
0xb1: {  	[dreg:$0x5] =	wrdreg $0x9  }
0xb2: {  	_ =	task.clear_ibuf [dreg:s7], $0x6FFFF;
	_ =	strace $0x90000049  }
0xb3: {  	s29 =	simm.s32 $0x9;
	_ =	strace $0x8000004B  }
0xb4: {  	_ =	swait.ge [sflag:s29], $0x1  }
0xb5: {  	[sflag:s29] =	ssyncadd.s32 $0xFFFFFFFF  }
0xb6: {  	_ =	strace $0x9000004B  }
0xb7: {  	_ =	sfence  }
0xb8: {  	s30 =	sld [smem:$0x0];
	_ =	sdelay $0x2  }
0xb9: {  	s31 =	sshll.u32 s1, $0xD;
	s1 =	sshrl.u32 s1, $0x2  }
0xba: {  	s3 =	sand.u32 $0x4000, s31;
	s1 =	sadd.s32 s1, s30  }
0xbb: {  	s0 =	sor.u32 s3, s0;
	s1 =	sshll.u32 s1, $0x11  }
0xbc: {  	s0 =	sor.u32 s1, s0  }
0xbd: {  	s0 =	sadd.s32 $0x8F2B, s0  }
0xbe: {  	[sflag:s0] =	ssyncadd.remote.s32 $0x1  }
0xbf: {  	_ =	sfence.sel $0xFFFF  }
0xc0: {  	[dreg:$0x0] =	wrdreg $0xFFFFFFFF;
	(pc) =	sbr.abs _section_cstart, $3  }
0xc1: {  	[dreg:$0x1] =	wrdreg $0xFFFFFFFF  }
0xc2: {  	_ =	task.clear_ibuf [dreg:s7], $0x2FFFF;
	_ =	strace $0x9FFFFFFF  }
0xc3: {  	(tm) =	ssettm $0x7FFFFFFF  }
tec
execute0_lowered:
.L_overlay_start_1:
0x0: {  	(tag) =	ssettag $0x1  }
0x1: {  	s2 =	rddreg [dreg:$0x0]  }
0x2: {  	s0 =	srdreg.scid;
	s6 =	rddreg [dreg:$0x1]  }
0x3: {  	s10 =	stileid.u32;
	s3 =	rddreg [dreg:$0x2];
	s4 =	simm.s32 $0x0  }
0x4: {  	s12 =	simm.s32 $0x9;
	s14 =	simm.s32 $0x80;
	s15 =	simm.s32 $0x5000  }
0x5: {  	s16 =	simm.s32 $0x6400;
	s18 =	simm.s32 $0x7800;
	s20 =	simm.s32 $0x8C00  }
0x6: {  	s21 =	simm.s32 $0x1;
	s22 =	simm.s32 $0x2;
	s23 =	simm.s32 $0x3  }
0x7: {  	s24 =	simm.s32 $0x4;
	s25 =	simm.s32 $0x5;
	s28 =	simm.s32 $0x7  }
0x8: {  	s29 =	simm.s32 $0x8;
	s31 =	simm.s32 $0x4E80;
	s13 =	simm.s32 $0x0  }
0x9: {  	s0 =	sand.u32 $0x1, s0;
	s7 =	smul.u32 $0x62C0, s10;
	[smem:$0x7FF] =	sst s4  }
0xa: {  	s30 =	sshll.u32 s10, $0x6;
	s1 =	sshll.u32 s0, $0x4;
	s5 =	smul.u32 $0x62C00, s0  }
0xb: {  	_ =	strace $0x8000004A;
	s0 =	ssub.s32 $0x2, s0;
	s1 =	sor.u32 s10, s1  }
0xc: {  	s26 =	sshrl.u32 s0, $0x1;
	s11 =	sadd.s32 s7, s3;
	s1 =	smul.u32 $0x500, s1  }
0xd: {  	s8 =	sadd.s32 s7, s5;
	s5 =	sadd.s32 $0x15400, s6;
	s0 =	ssub.s32 s0, s26  }
0xe: {  	s11 =	sshrl.u32 s11, $0x3;
	s26 =	simm.s32 $0x6;
	s8 =	sshrl.u32 s8, $0x3  }
0xf: {  	s10 =	smax.u32 s0, $0x1;
	s0 =	simm.s32 $0x4F80;
	s1 =	sadd.s32 s1, s6  }
0x10: {  	s9 =	sadd.s32 s8, s6;
	s6 =	sor.u32 $0x1C09, s30;
	s7 =	sadd.s32 $0x1400, s1  }
0x11: {  	s8 =	sadd.s32 $0xB400, s1;
	s9 =	sadd.s32 $0x16200, s9;
	s1 =	simm.s32 $0x4F00  }
.LBB2_1:
0x12: {  	[spmem:s11], [sflag:s6] =	dma.local [hbm:s5], $0xC58  }
0x13: {  	_ =	swait.ge [sflag:s12], $0xC58  }
0x14: {  	[sflag:s12] =	ssyncset.done $0x0  }
0x15: {  	[sflag:s12] =	ssyncadd.s32 $0xFFFFF3A8  }
0x16: {  	[tilespmem:s4], [sflag:$0x9] =	stream.linear.gather [hbm4b:s7+s4], $0x2800, $0x38;
	[tilespmem:$0x102C0] =	vst v63  }
0x17: {  	_ =	swait.ge [sflag:s12], $0x2800  }
0x18: {  	[sflag:s12] =	ssyncset.done $0x0  }
0x19: {  	s17 =	simm.s32 $0x2800;
	[sflag:s12] =	ssyncadd.s32 $0xFFFFD800  }
0x1a: {  	[tilespmem:s17], [sflag:$0x9] =	stream.linear.gather [hbm4b:s8+s4], $0x2800, $0x38;
	[tilespmem:$0x102C0] =	vst v63  }
0x1b: {  	_ =	swait.ge [sflag:s12], $0x2800  }
0x1c: {  	[sflag:s12] =	ssyncset.done $0x0  }
0x1d: {  	[sflag:s12] =	ssyncadd.s32 $0xFFFFD800  }
0x1e: {  	[bflag:$0x0] =	sbarrier.arrive $0xFFFF  }
0x1f: {  	[tilespmem:s15], [sflag:$0x1] =	stream.indirect.gather [hbm4b:s2+s14], $0x28, s4, s14, $0xb8;
	[tilespmem:$0x102C0] =	vst v63  }
0x20: {  	_ = 	snop  }
0x21: {  	[tilespmem:s16], [sflag:$0x2] =	stream.indirect.gather [hbm4b:s2+s14], $0x28, s14, s14, $0xb8;
	[tilespmem:$0x102C0] =	vst v63  }
0x22: {  	s30 =	simm.s32 $0x100  }
0x23: {  	[tilespmem:s18], [sflag:$0x3] =	stream.indirect.gather [hbm4b:s2+s14], $0x28, s30, s14, $0xb8;
	[tilespmem:$0x102C0] =	vst v63  }
0x24: {  	s19 =	simm.s32 $0x180  }
0x25: {  	[tilespmem:s20], [sflag:$0x4] =	stream.indirect.gather [hbm4b:s2+s14], $0x28, s19, s14, $0xb8;
	[tilespmem:$0x102C0] =	vst v63  }
0x26: {  	_ =	swait.ge [sflag:s21], $0x1400  }
0x27: {  	[sflag:s21] =	ssyncset.done $0x0  }
0x28: {  	s30 =	simm.s32 $0x2800;
	[sflag:s21] =	ssyncadd.s32 $0xFFFFEC00  }
0x29: {  	[spmem:s3] =	stream.indirect.scatter.add.f32 [tilespmem:s15], [sflag:$0x5], $0x28, s30, s14, $0xb8;
	[tilespmem:$0x102C0] =	vst v63  }
0x2a: {  	_ =	swait.ge [sflag:s22], $0x1400  }
0x2b: {  	[sflag:s22] =	ssyncset.done $0x0  }
0x2c: {  	s19 =	simm.s32 $0x2880;
	[sflag:s22] =	ssyncadd.s32 $0xFFFFEC00  }
0x2d: {  	[spmem:s3] =	stream.indirect.scatter.add.f32 [tilespmem:s16], [sflag:$0x6], $0x28, s19, s14, $0xb8;
	[tilespmem:$0x102C0] =	vst v63  }
0x2e: {  	_ =	swait.ge [sflag:s23], $0x1400  }
0x2f: {  	[sflag:s23] =	ssyncset.done $0x0  }
0x30: {  	s30 =	simm.s32 $0x2900;
	[sflag:s23] =	ssyncadd.s32 $0xFFFFEC00  }
0x31: {  	[spmem:s3] =	stream.indirect.scatter.add.f32 [tilespmem:s18], [sflag:$0x7], $0x28, s30, s14, $0xb8;
	[tilespmem:$0x102C0] =	vst v63  }
0x32: {  	_ =	swait.ge [sflag:s24], $0x1400  }
0x33: {  	[sflag:s24] =	ssyncset.done $0x0  }
0x34: {  	s19 =	simm.s32 $0x2980;
	[sflag:s24] =	ssyncadd.s32 $0xFFFFEC00  }
0x35: {  	[spmem:s3] =	stream.indirect.scatter.add.f32 [tilespmem:s20], [sflag:$0x8], $0x28, s19, s14, $0xb8;
	[tilespmem:$0x102C0] =	vst v63  }
0x36: {  	_ =	swait.ge [sflag:s25], $0x1400  }
0x37: {  	[sflag:s25] =	ssyncset.done $0x0  }
0x38: {  	s30 =	simm.s32 $0x200;
	[sflag:s25] =	ssyncadd.s32 $0xFFFFEC00  }
0x39: {  	[tilespmem:s15], [sflag:$0x1] =	stream.indirect.gather [hbm4b:s2+s14], $0x28, s30, s14, $0xb8;
	[tilespmem:$0x102C0] =	vst v63  }
0x3a: {  	_ =	swait.ge [sflag:s26], $0x1400  }
0x3b: {  	[sflag:s26] =	ssyncset.done $0x0  }
0x3c: {  	s19 =	simm.s32 $0x280;
	[sflag:s26] =	ssyncadd.s32 $0xFFFFEC00  }
0x3d: {  	[tilespmem:s16], [sflag:$0x2] =	stream.indirect.gather [hbm4b:s2+s14], $0x28, s19, s14, $0xb8;
	[tilespmem:$0x102C0] =	vst v63  }
0x3e: {  	_ =	swait.ge [sflag:s28], $0x1400  }
0x3f: {  	[sflag:s28] =	ssyncset.done $0x0  }
0x40: {  	s30 =	simm.s32 $0x300;
	[sflag:s28] =	ssyncadd.s32 $0xFFFFEC00  }
0x41: {  	[tilespmem:s18], [sflag:$0x3] =	stream.indirect.gather [hbm4b:s2+s14], $0x28, s30, s14, $0xb8;
	[tilespmem:$0x102C0] =	vst v63  }
0x42: {  	_ =	swait.ge [sflag:s29], $0x1400  }
0x43: {  	[sflag:s29] =	ssyncset.done $0x0  }
0x44: {  	s17 =	simm.s32 $0x800;
	s19 =	simm.s32 $0x380;
	[sflag:s29] =	ssyncadd.s32 $0xFFFFEC00  }
.LBB2_2:
0x45: {  	[tilespmem:s20], [sflag:$0x4] =	stream.indirect.gather [hbm4b:s2+s14], $0x28, s19, s14, $0xb8;
	[tilespmem:$0x102C0] =	vst v63  }
0x46: {  	s19 =	smov.u32 s17  }
0x47: {  	p0 =	sne.s32 s17, $0x9000;
	s17 =	sadd.s32 $0x800, s17;
	_ =	swait.ge [sflag:s21], $0x1400  }
0x48: {  	s19 =	sshra.s32 s19, $0x2;
	[sflag:s21] =	ssyncset.done $0x0  }
0x49: {  	s30 =	sadd.s32 $0x2800, s19;
	[sflag:s21] =	ssyncadd.s32 $0xFFFFEC00  }
0x4a: {  	[spmem:s3] =	stream.indirect.scatter.add.f32 [tilespmem:s15], [sflag:$0x5], $0x28, s30, s14, $0xb8;
	[tilespmem:$0x102C0] =	vst v63  }
0x4b: {  	_ =	swait.ge [sflag:s22], $0x1400  }
0x4c: {  	[sflag:s22] =	ssyncset.done $0x0  }
0x4d: {  	s30 =	sadd.s32 $0x2880, s19;
	[sflag:s22] =	ssyncadd.s32 $0xFFFFEC00  }
0x4e: {  	[spmem:s3] =	stream.indirect.scatter.add.f32 [tilespmem:s16], [sflag:$0x6], $0x28, s30, s14, $0xb8;
	[tilespmem:$0x102C0] =	vst v63  }
0x4f: {  	_ =	swait.ge [sflag:s23], $0x1400  }
0x50: {  	[sflag:s23] =	ssyncset.done $0x0  }
0x51: {  	s30 =	sadd.s32 $0x2900, s19;
	[sflag:s23] =	ssyncadd.s32 $0xFFFFEC00  }
0x52: {  	[spmem:s3] =	stream.indirect.scatter.add.f32 [tilespmem:s18], [sflag:$0x7], $0x28, s30, s14, $0xb8;
	[tilespmem:$0x102C0] =	vst v63  }
0x53: {  	_ =	swait.ge [sflag:s24], $0x1400  }
0x54: {  	[sflag:s24] =	ssyncset.done $0x0  }
0x55: {  	s30 =	sadd.s32 $0x2980, s19;
	[sflag:s24] =	ssyncadd.s32 $0xFFFFEC00  }
0x56: {  	[spmem:s3] =	stream.indirect.scatter.add.f32 [tilespmem:s20], [sflag:$0x8], $0x28, s30, s14, $0xb8;
	[tilespmem:$0x102C0] =	vst v63  }
0x57: {  	_ =	swait.ge [sflag:s25], $0x1400  }
0x58: {  	[sflag:s25] =	ssyncset.done $0x0  }
0x59: {  	s30 =	sadd.s32 $0x200, s19;
	[sflag:s25] =	ssyncadd.s32 $0xFFFFEC00  }
0x5a: {  	[tilespmem:s15], [sflag:$0x1] =	stream.indirect.gather [hbm4b:s2+s14], $0x28, s30, s14, $0xb8;
	[tilespmem:$0x102C0] =	vst v63  }
0x5b: {  	_ =	swait.ge [sflag:s26], $0x1400  }
0x5c: {  	[sflag:s26] =	ssyncset.done $0x0  }
0x5d: {  	s30 =	sadd.s32 $0x280, s19;
	[sflag:s26] =	ssyncadd.s32 $0xFFFFEC00  }
0x5e: {  	[tilespmem:s16], [sflag:$0x2] =	stream.indirect.gather [hbm4b:s2+s14], $0x28, s30, s14, $0xb8;
	[tilespmem:$0x102C0] =	vst v63  }
0x5f: {  	_ =	swait.ge [sflag:s28], $0x1400  }
0x60: {  	[sflag:s28] =	ssyncset.done $0x0  }
.Ltmp0:
0x61: {  	s30 =	sadd.s32 $0x300, s19;
	[sflag:s28] =	ssyncadd.s32 $0xFFFFEC00;
	(pc) =	sbr.rel @p0 .LBB2_2-.Ltmp0, $4  }
0x62: {  	[tilespmem:s18], [sflag:$0x3] =	stream.indirect.gather [hbm4b:s2+s14], $0x28, s30, s14, $0xb8;
	[tilespmem:$0x102C0] =	vst v63  }
0x63: {  	_ =	swait.ge [sflag:s29], $0x1400  }
0x64: {  	[sflag:s29] =	ssyncset.done $0x0  }
0x65: {  	s19 =	sadd.s32 $0x380, s19;
	[sflag:s29] =	ssyncadd.s32 $0xFFFFEC00  }
0x66: {  	[tilespmem:s20], [sflag:$0x4] =	stream.indirect.gather [hbm4b:s2+s14], $0x28, s19, s14, $0xb8;
	[tilespmem:$0x102C0] =	vst v63  }
0x67: {  	_ =	swait.ge [sflag:s21], $0x1400  }
0x68: {  	[sflag:s21] =	ssyncset.done $0x0  }
0x69: {  	s17 =	simm.s32 $0x4E00;
	[sflag:s21] =	ssyncadd.s32 $0xFFFFEC00  }
0x6a: {  	[spmem:s3] =	stream.indirect.scatter.add.f32 [tilespmem:s15], [sflag:$0x5], $0x28, s17, s14, $0xb8;
	[tilespmem:$0x102C0] =	vst v63  }
0x6b: {  	_ =	swait.ge [sflag:s22], $0x1400  }
0x6c: {  	[sflag:s22] =	ssyncset.done $0x0  }
0x6d: {  	[sflag:s22] =	ssyncadd.s32 $0xFFFFEC00  }
0x6e: {  	[spmem:s3] =	stream.indirect.scatter.add.f32 [tilespmem:s16], [sflag:$0x6], $0x28, s31, s14, $0xb8;
	[tilespmem:$0x102C0] =	vst v63  }
0x6f: {  	_ =	swait.ge [sflag:s23], $0x1400  }
0x70: {  	[sflag:s23] =	ssyncset.done $0x0  }
0x71: {  	[sflag:s23] =	ssyncadd.s32 $0xFFFFEC00  }
0x72: {  	[spmem:s3] =	stream.indirect.scatter.add.f32 [tilespmem:s18], [sflag:$0x7], $0x28, s1, s14, $0xb8;
	[tilespmem:$0x102C0] =	vst v63  }
0x73: {  	_ =	swait.ge [sflag:s24], $0x1400  }
0x74: {  	[sflag:s24] =	ssyncset.done $0x0  }
0x75: {  	[sflag:s24] =	ssyncadd.s32 $0xFFFFEC00  }
0x76: {  	[spmem:s3] =	stream.indirect.scatter.add.f32 [tilespmem:s20], [sflag:$0x8], $0x28, s0, s14, $0xb8;
	[tilespmem:$0x102C0] =	vst v63  }
0x77: {  	_ =	swait.ge [sflag:s25], $0x1400  }
0x78: {  	[sflag:s25] =	ssyncset.done $0x0  }
0x79: {  	[sflag:s25] =	ssyncadd.s32 $0xFFFFEC00  }
0x7a: {  	_ =	swait.ge [sflag:s26], $0x1400  }
0x7b: {  	[sflag:s26] =	ssyncset.done $0x0  }
0x7c: {  	[sflag:s26] =	ssyncadd.s32 $0xFFFFEC00  }
0x7d: {  	_ =	swait.ge [sflag:s28], $0x1400  }
0x7e: {  	[sflag:s28] =	ssyncset.done $0x0  }
0x7f: {  	[sflag:s28] =	ssyncadd.s32 $0xFFFFEC00  }
0x80: {  	_ =	swait.ge [sflag:s29], $0x1400  }
0x81: {  	s13 =	sadd.s32 $0x1, s13;
	[sflag:s29] =	ssyncset.done $0x0  }
0x82: {  	p0 =	sne.s32 s13, s10;
	[sflag:s29] =	ssyncadd.s32 $0xFFFFEC00  }
.Ltmp1:
0x83: {  	[bflag:$0x0] =	sbarrier.arrive $0xFFFF;
	(pc) =	sbr.rel @p0 .LBB2_1-.Ltmp1, $4  }
0x84: {  	[hbm:s9], [sflag:s6] =	dma.local [spmem:s11], $0xC58  }
0x85: {  	_ =	swait.ge [sflag:s12], $0xC58  }
0x86: {  	[sflag:s12] =	ssyncset.done $0x0  }
0x87: {  	[sflag:s12] =	ssyncadd.s32 $0xFFFFF3A8  }
0x88: {  	_ =	sfence.sel $0x180000  }
0x89: {  	[bflag:$0x0] =	sbarrier.arrive $0xFFFF  }
0x8a: {  	_ =	strace $0x9000004A  }
0x8b: {  	s0 =	stileid.u32;
	[bflag:$0x2] =	sbarrier.arrive $0xFFFF  }
0x8c: {  	p0 =	sne.s32 s0, $0x0;
	s0 =	rddreg [dreg:$0x3]  }
0x8d: {  	s0 =	sadd.s32 @!p0 $0x100000, s0  }
0x8e: {  	[sflag:s0] =	ssyncadd.tile.s32 @!p0 $0x1;
	_ =	shalt  }
.Lfunc_end2:
_tile_overlayer_lowered:
.L_overlay_start_2:
0x8f: {  	(tag) =	ssettag $0x2  }
0x90: {  	s0 =	rddreg [dreg:$0x0];
	s2 =	stileid.u32  }
0x91: {  	s1 =	rddreg [dreg:$0x1];
	p0 =	sne.s32 s2, $0x0  }
0x92: {  	s3 =	rddreg [dreg:$0x2];
	[bflag:$0x3] =	sbarrier.arrive $0xFFFF;
	s2 =	simm.s32 @!p0 $0x1C09  }
0x93: {  	[timem:s3], [sflag:s2] =	dma.local @!p0 [hbm:s0], s1  }
0x94: {  	s0 =	simm.s32 @!p0 $0x9  }
0x95: {  	_ =	swait.ge @!p0 [sflag:s0], s1  }
0x96: {  	s1 =	ssub.s32 @!p0 $0x0, s1;
	[sflag:s0] =	ssyncset.done @!p0 $0x0  }
0x97: {  	[sflag:s0] =	ssyncadd.s32 @!p0 s1  }
0x98: {  	[bflag:$0x3] =	sbarrier.arrive $0xFFFF  }
0x99: {  	_ =	shalt  }

// kernel: kernel.14.cloned.1.call-start
scs
__scs_entry_jumppad:
0x0: {  	(pc) =	sbr.rel $0x88, $3  }
0x1: {  	(tag) =	ssettag $0x0;
	lr =	simm.s32 $0x1  }
0x2: {  	[smem:$0x3F9D] =	sst lr;
	_ =	strace $0xD0000000  }
0x3: {  	_ = 	snop  }
0x4: {  	_ = 	snop  }
0x5: {  	_ = 	snop  }
0x6: {  	_ = 	snop  }
0x7: {  	_ = 	snop  }
__scs_overlays_trampoline_lowered:
0x8: {  	[smem:$0x3FAC] =	sst s0  }
0x9: {  	[smem:$0x3FAD] =	sst s1  }
0xa: {  	[smem:$0x3FAE] =	sst s2  }
0xb: {  	[smem:$0x3FAF] =	sst s3  }
0xc: {  	[smem:$0x3FB0] =	sst s4  }
0xd: {  	[smem:$0x3FB1] =	sst s5  }
0xe: {  	[smem:$0x3FB2] =	sst s6  }
0xf: {  	[smem:$0x3FB3] =	sst s7  }
0x10: {  	[smem:$0x3FB4] =	sst s8  }
0x11: {  	[smem:$0x3FB5] =	sst s9;
	s0 =	simm.s32 @!p0 $0x0  }
0x12: {  	s1 =	sld [smem:$0x3F9B];
	s0 =	simm.s32 @p0 $0x1  }
0x13: {  	[smem:$0x3FB6] =	sst s0;
	s0 =	simm.s32 @!p1 $0x0  }
0x14: {  	s2 =	sld [smem:$0x3F9A];
	s0 =	simm.s32 @p1 $0x1  }
0x15: {  	[smem:$0x3FB7] =	sst s0;
	s0 =	simm.s32 @!p2 $0x0  }
0x16: {  	s3 =	sld [smem:$0x3FDB];
	s0 =	simm.s32 @p2 $0x1  }
0x17: {  	s4 =	simm.s32 $0x1BF5;
	[smem:$0x3FB9] =	sst s0  }
0x18: {  	s0 =	sld [smem:$0x3F9C];
	_ =	swait.ge [sflag:s4], $0x0  }
0x19: {  	s7 =	sld [smem:$0x3F9D]  }
0x1a: {  	s8 =	sadd.s32 $0xFFFFE003, lr  }
0x1b: {  	s9 =	sadd.s32 $0xFFFFFEF7, lr;
	s5 =	simm.s32 $0xFFFFFFFF;
	p2 =	slt.u32 s8, $0xFFFFF086  }
0x1c: {  	p1 =	slt.u32 s9, $0xF7A;
	s5 =	simm.s32 @!p2 $0x0  }
0x1d: {  	s5 =	simm.s32 @p1 $0x1;
	p0 =	seq.s32 s7, s2  }
0x1e: {  	s7 =	smul.u32 @!p0 $0xF7A, s2;
	p2 =	seq.s32 @!p0 s5, $0x0  }
0x1f: {  	s9 =	smul.u32 $0xF7A, s1;
	s8 =	simm.s32 @!p0 $0x1BF5;
	p2 =	por !p2, p0  }
0x20: {  	[sflag:s8] =	ssyncset.s32 @!p0 $0xFFFFF086;
	s6 =	sadd.s32 @!p0 s3, s7;
	s7 =	simm.s32 @!p0 $0x108  }
0x21: {  	s3 =	sadd.s32 s3, s9;
	s6 =	sadd.s32 @!p0 $0x88, s6;
	s7 =	simm.s32 @p2 $0x1082  }
0x22: {  	[simem:s7], [sflag:s8] =	dma.local @!p0 [hbm:s6], $0xF7A  }
0x23: {  	s9 =	sor.u32 $0xD0000000, s2;
	s6 =	simm.s32 $0x108;
	_ =	swait.ge @!p0 [sflag:s8], $0x0  }
0x24: {  	s3 =	sadd.s32 $0x88, s3;
	s6 =	simm.s32 @!p1 $0x1082;
	[sflag:s4] =	ssyncset.s32 $0xFFFFF086  }
0x25: {  	[simem:s6], [sflag:s4] =	dma.local [hbm:s3], $0xF7A  }
0x26: {  	[smem:$0x3F9D] =	sst s1;
	(tag) =	ssettag s2;
	_ =	strace s9  }
0x27: {  	s1 =	sld [smem:$0x3FAD]  }
0x28: {  	s2 =	sld [smem:$0x3FAE]  }
0x29: {  	s4 =	sld [smem:$0x3FB0]  }
0x2a: {  	p0 =	seq.s32 s5, $0x0;
	s5 =	sld [smem:$0x3FB1]  }
0x2b: {  	s6 =	sld [smem:$0x3FB2]  }
0x2c: {  	s7 =	sld [smem:$0x3FB3]  }
0x2d: {  	s3 =	simm.s32 $0x108;
	s8 =	sld [smem:$0x3FB4]  }
0x2e: {  	s3 =	simm.s32 @!p0 $0x1082;
	s9 =	sld [smem:$0x3FB5]  }
0x2f: {  	lr =	sadd.s32 s0, s3;
	s0 =	sld [smem:$0x3FAC]  }
0x30: {  	s3 =	sld [smem:$0x3FAF]  }
0x31: {  	[smem:$0x3FB8] =	sst s10  }
0x32: {  	s10 =	sld [smem:$0x3FB6];
	_ =	sdelay $0x3  }
0x33: {  	p0 =	seq.s32 s10, $0x1;
	s10 =	sld [smem:$0x3FB8];
	_ =	sdelay $0x3  }
0x34: {  	[smem:$0x3FB8] =	sst s10  }
0x35: {  	s10 =	sld [smem:$0x3FB7];
	_ =	sdelay $0x3  }
0x36: {  	p1 =	seq.s32 s10, $0x1;
	s10 =	sld [smem:$0x3FB8];
	_ =	sdelay $0x3  }
0x37: {  	[smem:$0x3FB8] =	sst s10  }
0x38: {  	s10 =	sld [smem:$0x3FB9]  }
0x39: {  	_ = 	snop;
	(pc) =	sbr.ind lr, $3  }
0x3a: {  	_ = 	snop  }
0x3b: {  	_ = 	snop  }
0x3c: {  	p2 =	seq.s32 s10, $0x1;
	s10 =	sld [smem:$0x3FB8]  }
0x3d: {  	_ =	shalt  }
0x3e: {  	_ =	shalt  }
0x3f: {  	_ =	shalt  }
0x40: {  	_ =	shalt  }
0x41: {  	_ =	shalt  }
0x42: {  	_ =	shalt  }
0x43: {  	_ =	shalt  }
0x44: {  	_ =	shalt  }
0x45: {  	_ =	shalt  }
0x46: {  	_ =	shalt  }
0x47: {  	_ =	shalt  }
0x48: {  	_ =	shalt  }
0x49: {  	_ =	shalt  }
0x4a: {  	_ =	shalt  }
0x4b: {  	_ =	shalt  }
0x4c: {  	_ =	shalt  }
0x4d: {  	_ =	shalt  }
0x4e: {  	_ =	shalt  }
0x4f: {  	_ =	shalt  }
0x50: {  	_ =	shalt  }
0x51: {  	_ =	shalt  }
0x52: {  	_ =	shalt  }
0x53: {  	_ =	shalt  }
0x54: {  	_ =	shalt  }
0x55: {  	_ =	shalt  }
0x56: {  	_ =	shalt  }
0x57: {  	_ =	shalt  }
0x58: {  	_ =	shalt  }
0x59: {  	_ =	shalt  }
0x5a: {  	_ =	shalt  }
0x5b: {  	_ =	shalt  }
0x5c: {  	_ =	shalt  }
0x5d: {  	_ =	shalt  }
0x5e: {  	_ =	shalt  }
0x5f: {  	_ =	shalt  }
0x60: {  	_ =	shalt  }
0x61: {  	_ =	shalt  }
0x62: {  	_ =	shalt  }
0x63: {  	_ =	shalt  }
0x64: {  	_ =	shalt  }
0x65: {  	_ =	shalt  }
0x66: {  	_ =	shalt  }
0x67: {  	_ =	shalt  }
0x68: {  	_ =	shalt  }
0x69: {  	_ =	shalt  }
0x6a: {  	_ =	shalt  }
0x6b: {  	_ =	shalt  }
0x6c: {  	_ =	shalt  }
0x6d: {  	_ =	shalt  }
0x6e: {  	_ =	shalt  }
0x6f: {  	_ =	shalt  }
0x70: {  	_ =	shalt  }
0x71: {  	_ =	shalt  }
0x72: {  	_ =	shalt  }
0x73: {  	_ =	shalt  }
0x74: {  	_ =	shalt  }
0x75: {  	_ =	shalt  }
0x76: {  	_ =	shalt  }
0x77: {  	_ =	shalt  }
0x78: {  	_ =	shalt  }
0x79: {  	_ =	shalt  }
0x7a: {  	_ =	shalt  }
0x7b: {  	_ =	shalt  }
0x7c: {  	_ =	shalt  }
0x7d: {  	_ =	shalt  }
0x7e: {  	_ =	shalt  }
0x7f: {  	_ =	shalt  }
0x80: {  	_ =	shalt  }
0x81: {  	_ =	shalt  }
0x82: {  	_ =	shalt  }
0x83: {  	_ =	shalt  }
0x84: {  	_ =	shalt  }
0x85: {  	_ =	shalt  }
0x86: {  	_ =	shalt  }
0x87: {  	_ =	shalt  }
.Lfunc_end0:
.L_simem_size_0:
called_computation.2_lowered:
.L_overlay_start_0:
0x88: {  	s2 =	sld [smem:$0x3FD9]  }
0x89: {  	s3 =	sld [smem:$0x3FFE];
	_ =	sdelay $0x1  }
0x8a: {  	s1 =	srdreg.scid  }
0x8b: {  	s0 =	sand.u32 $0x1, s1  }
0x8c: {  	s17 =	sshll.u32 s0, $0xA;
	s2 =	sadd.s32 s3, s2  }
0x8d: {  	s2 =	sadd.s32 s2, s17  }
0x8e: {  	[smem:$0x3FC4] =	sst s2  }
0x8f: {  	_ = 	snop  }
0x90: {  	s2 =	sld [smem:$0x3FD0];
	(tm) =	ssettm $0x1  }
0x91: {  	s18 =	sld [smem:$0x3FFB];
	_ =	sdelay $0x3  }
0x92: {  	_ =	strace s18  }
0x93: {  	s3 =	sld [smem:$0x3FFC];
	_ =	sdelay $0x3  }
0x94: {  	_ =	strace s3  }
0x95: {  	s3 =	sld [smem:$0x3FFD];
	_ =	sdelay $0x3  }
0x96: {  	_ =	strace s3  }
0x97: {  	_ =	strace $0x8FFFFFFF  }
0x98: {  	s19 =	sld [smem:$0x3FDB];
	_ =	sdelay $0x1  }
0x99: {  	s4 =	simm.s32 $_scs_section_size  }
0x9a: {  	s5 =	simm.s32 $_size__tile_overlayer_lowered;
	s6 =	simm.s32 $_tile_overlayer_lowered  }
0x9b: {  	s22 =	simm.s32 $0x1BFF;
	s21 =	sshll.u32 s6, $0x1;
	s3 =	sadd.s32 s4, s19  }
0x9c: {  	s7 =	simm.s32 $0x0;
	s20 =	sshll.u32 s5, $0x1;
	s5 =	sadd.s32 s21, s3  }
0x9d: {  	[timem:s7], [sflag:s22] =	dma.local [hbm:s5], s20  }
0x9e: {  	_ =	swait.ge [sflag:s22], s20  }
0x9f: {  	s4 =	ssub.s32 $0x0, s20;
	[sflag:s22] =	ssyncset.done $0x0  }
0xa0: {  	[sflag:s22] =	ssyncadd.s32 s4;
	_ =	sdelay $0x1  }
0xa1: {  	s23 =	simm.s32 $0x1B8B  }
0xa2: {  	_ =	swait.ge [sflag:s23], $0x1  }
0xa3: {  	[sflag:s23] =	ssyncset.done $0x0  }
0xa4: {  	s25 =	simm.s32 $0x1B8E;
	s24 =	sld [smem:$0x3FFE];
	[sflag:s23] =	ssyncadd.s32 $0xFFFFFFFF  }
0xa5: {  	s26 =	simm.s32 $execute0_lowered;
	[smem:$0x3FD2] =	sst s25  }
0xa6: {  	s5 =	sshll.u32 s26, $0x1;
	_ =	strace $0x8000004C;
	[dreg:$0x1] =	wrdreg $0xFFFFFFFF  }
0xa7: {  	s28 =	simm.s32 $_size_execute0_lowered;
	s3 =	sadd.s32 s3, s5;
	[dreg:$0x0] =	wrdreg $0x0  }
0xa8: {  	s5 =	sshll.u32 s28, $0x1;
	[dreg:$0x2] =	wrdreg s3  }
0xa9: {  	[dreg:$0x3] =	wrdreg s5  }
0xaa: {  	[dreg:$0x4] =	wrdreg $0xC0  }
0xab: {  	_ =	task [dreg:s7], $0x5FFFF  }
0xac: {  	[dreg:$0x1] =	wrdreg $0xFFFFFFFF  }
0xad: {  	[dreg:$0x0] =	wrdreg $0x60  }
0xae: {  	[dreg:$0x2] =	wrdreg s2  }
0xaf: {  	[dreg:$0x3] =	wrdreg s24  }
0xb0: {  	[dreg:$0x4] =	wrdreg $0xA0000  }
0xb1: {  	[dreg:$0x5] =	wrdreg $0x9  }
0xb2: {  	_ =	task.clear_ibuf [dreg:s7], $0x6FFFF;
	_ =	strace $0x9000004C  }
0xb3: {  	s29 =	simm.s32 $0x9;
	_ =	strace $0x8000004E  }
0xb4: {  	_ =	swait.ge [sflag:s29], $0x1  }
0xb5: {  	[sflag:s29] =	ssyncadd.s32 $0xFFFFFFFF  }
0xb6: {  	_ =	strace $0x9000004E  }
0xb7: {  	_ =	sfence  }
0xb8: {  	s30 =	sld [smem:$0x0];
	_ =	sdelay $0x2  }
0xb9: {  	s31 =	sshll.u32 s1, $0xD;
	s1 =	sshrl.u32 s1, $0x2  }
0xba: {  	s3 =	sand.u32 $0x4000, s31;
	s1 =	sadd.s32 s1, s30  }
0xbb: {  	s0 =	sor.u32 s3, s0;
	s1 =	sshll.u32 s1, $0x11  }
0xbc: {  	s0 =	sor.u32 s1, s0  }
0xbd: {  	s0 =	sadd.s32 $0x8F2B, s0  }
0xbe: {  	[sflag:s0] =	ssyncadd.remote.s32 $0x1  }
0xbf: {  	_ =	sfence.sel $0xFFFF  }
0xc0: {  	[dreg:$0x0] =	wrdreg $0xFFFFFFFF;
	(pc) =	sbr.abs _section_cstart, $3  }
0xc1: {  	[dreg:$0x1] =	wrdreg $0xFFFFFFFF  }
0xc2: {  	_ =	task.clear_ibuf [dreg:s7], $0x2FFFF;
	_ =	strace $0x9FFFFFFF  }
0xc3: {  	(tm) =	ssettm $0x7FFFFFFF  }
tec
execute0_lowered:
.L_overlay_start_1:
0x0: {  	(tag) =	ssettag $0x1  }
0x1: {  	s2 =	rddreg [dreg:$0x0]  }
0x2: {  	s0 =	srdreg.scid;
	s6 =	rddreg [dreg:$0x1]  }
0x3: {  	s10 =	stileid.u32;
	s3 =	rddreg [dreg:$0x2];
	s4 =	simm.s32 $0x0  }
0x4: {  	s12 =	simm.s32 $0x9;
	s14 =	simm.s32 $0x80;
	s15 =	simm.s32 $0x5000  }
0x5: {  	s16 =	simm.s32 $0x6400;
	s18 =	simm.s32 $0x7800;
	s20 =	simm.s32 $0x8C00  }
0x6: {  	s21 =	simm.s32 $0x1;
	s22 =	simm.s32 $0x2;
	s23 =	simm.s32 $0x3  }
0x7: {  	s24 =	simm.s32 $0x4;
	s25 =	simm.s32 $0x5;
	s28 =	simm.s32 $0x7  }
0x8: {  	s29 =	simm.s32 $0x8;
	s31 =	simm.s32 $0x4E80;
	s13 =	simm.s32 $0x0  }
0x9: {  	s0 =	sand.u32 $0x1, s0;
	s7 =	smul.u32 $0x62C0, s10;
	[smem:$0x7FF] =	sst s4  }
0xa: {  	s30 =	sshll.u32 s10, $0x6;
	s1 =	sshll.u32 s0, $0x4;
	s5 =	smul.u32 $0x62C00, s0  }
0xb: {  	_ =	strace $0x8000004D;
	s0 =	ssub.s32 $0x2, s0;
	s1 =	sor.u32 s10, s1  }
0xc: {  	s26 =	sshrl.u32 s0, $0x1;
	s11 =	sadd.s32 s7, s3;
	s1 =	smul.u32 $0x500, s1  }
0xd: {  	s8 =	sadd.s32 s7, s5;
	s5 =	sadd.s32 $0x15400, s6;
	s0 =	ssub.s32 s0, s26  }
0xe: {  	s11 =	sshrl.u32 s11, $0x3;
	s26 =	simm.s32 $0x6;
	s8 =	sshrl.u32 s8, $0x3  }
0xf: {  	s10 =	smax.u32 s0, $0x1;
	s0 =	simm.s32 $0x4F80;
	s1 =	sadd.s32 s1, s6  }
0x10: {  	s9 =	sadd.s32 s8, s6;
	s6 =	sor.u32 $0x1C09, s30;
	s7 =	sadd.s32 $0x1400, s1  }
0x11: {  	s8 =	sadd.s32 $0xB400, s1;
	s9 =	sadd.s32 $0x16200, s9;
	s1 =	simm.s32 $0x4F00  }
.LBB2_1:
0x12: {  	[spmem:s11], [sflag:s6] =	dma.local [hbm:s5], $0xC58  }
0x13: {  	_ =	swait.ge [sflag:s12], $0xC58  }
0x14: {  	[sflag:s12] =	ssyncset.done $0x0  }
0x15: {  	[sflag:s12] =	ssyncadd.s32 $0xFFFFF3A8  }
0x16: {  	[tilespmem:s4], [sflag:$0x9] =	stream.linear.gather [hbm4b:s7+s4], $0x2800, $0x38;
	[tilespmem:$0x102C0] =	vst v63  }
0x17: {  	_ =	swait.ge [sflag:s12], $0x2800  }
0x18: {  	[sflag:s12] =	ssyncset.done $0x0  }
0x19: {  	s17 =	simm.s32 $0x2800;
	[sflag:s12] =	ssyncadd.s32 $0xFFFFD800  }
0x1a: {  	[tilespmem:s17], [sflag:$0x9] =	stream.linear.gather [hbm4b:s8+s4], $0x2800, $0x38;
	[tilespmem:$0x102C0] =	vst v63  }
0x1b: {  	_ =	swait.ge [sflag:s12], $0x2800  }
0x1c: {  	[sflag:s12] =	ssyncset.done $0x0  }
0x1d: {  	[sflag:s12] =	ssyncadd.s32 $0xFFFFD800  }
0x1e: {  	[bflag:$0x0] =	sbarrier.arrive $0xFFFF  }
0x1f: {  	[tilespmem:s15], [sflag:$0x1] =	stream.indirect.gather [hbm4b:s2+s14], $0x28, s4, s14, $0xb8;
	[tilespmem:$0x102C0] =	vst v63  }
0x20: {  	_ = 	snop  }
0x21: {  	[tilespmem:s16], [sflag:$0x2] =	stream.indirect.gather [hbm4b:s2+s14], $0x28, s14, s14, $0xb8;
	[tilespmem:$0x102C0] =	vst v63  }
0x22: {  	s30 =	simm.s32 $0x100  }
0x23: {  	[tilespmem:s18], [sflag:$0x3] =	stream.indirect.gather [hbm4b:s2+s14], $0x28, s30, s14, $0xb8;
	[tilespmem:$0x102C0] =	vst v63  }
0x24: {  	s19 =	simm.s32 $0x180  }
0x25: {  	[tilespmem:s20], [sflag:$0x4] =	stream.indirect.gather [hbm4b:s2+s14], $0x28, s19, s14, $0xb8;
	[tilespmem:$0x102C0] =	vst v63  }
0x26: {  	_ =	swait.ge [sflag:s21], $0x1400  }
0x27: {  	[sflag:s21] =	ssyncset.done $0x0  }
0x28: {  	s30 =	simm.s32 $0x2800;
	[sflag:s21] =	ssyncadd.s32 $0xFFFFEC00  }
0x29: {  	[spmem:s3] =	stream.indirect.scatter.add.f32 [tilespmem:s15], [sflag:$0x5], $0x28, s30, s14, $0xb8;
	[tilespmem:$0x102C0] =	vst v63  }
0x2a: {  	_ =	swait.ge [sflag:s22], $0x1400  }
0x2b: {  	[sflag:s22] =	ssyncset.done $0x0  }
0x2c: {  	s19 =	simm.s32 $0x2880;
	[sflag:s22] =	ssyncadd.s32 $0xFFFFEC00  }
0x2d: {  	[spmem:s3] =	stream.indirect.scatter.add.f32 [tilespmem:s16], [sflag:$0x6], $0x28, s19, s14, $0xb8;
	[tilespmem:$0x102C0] =	vst v63  }
0x2e: {  	_ =	swait.ge [sflag:s23], $0x1400  }
0x2f: {  	[sflag:s23] =	ssyncset.done $0x0  }
0x30: {  	s30 =	simm.s32 $0x2900;
	[sflag:s23] =	ssyncadd.s32 $0xFFFFEC00  }
0x31: {  	[spmem:s3] =	stream.indirect.scatter.add.f32 [tilespmem:s18], [sflag:$0x7], $0x28, s30, s14, $0xb8;
	[tilespmem:$0x102C0] =	vst v63  }
0x32: {  	_ =	swait.ge [sflag:s24], $0x1400  }
0x33: {  	[sflag:s24] =	ssyncset.done $0x0  }
0x34: {  	s19 =	simm.s32 $0x2980;
	[sflag:s24] =	ssyncadd.s32 $0xFFFFEC00  }
0x35: {  	[spmem:s3] =	stream.indirect.scatter.add.f32 [tilespmem:s20], [sflag:$0x8], $0x28, s19, s14, $0xb8;
	[tilespmem:$0x102C0] =	vst v63  }
0x36: {  	_ =	swait.ge [sflag:s25], $0x1400  }
0x37: {  	[sflag:s25] =	ssyncset.done $0x0  }
0x38: {  	s30 =	simm.s32 $0x200;
	[sflag:s25] =	ssyncadd.s32 $0xFFFFEC00  }
0x39: {  	[tilespmem:s15], [sflag:$0x1] =	stream.indirect.gather [hbm4b:s2+s14], $0x28, s30, s14, $0xb8;
	[tilespmem:$0x102C0] =	vst v63  }
0x3a: {  	_ =	swait.ge [sflag:s26], $0x1400  }
0x3b: {  	[sflag:s26] =	ssyncset.done $0x0  }
0x3c: {  	s19 =	simm.s32 $0x280;
	[sflag:s26] =	ssyncadd.s32 $0xFFFFEC00  }
0x3d: {  	[tilespmem:s16], [sflag:$0x2] =	stream.indirect.gather [hbm4b:s2+s14], $0x28, s19, s14, $0xb8;
	[tilespmem:$0x102C0] =	vst v63  }
0x3e: {  	_ =	swait.ge [sflag:s28], $0x1400  }
0x3f: {  	[sflag:s28] =	ssyncset.done $0x0  }
0x40: {  	s30 =	simm.s32 $0x300;
	[sflag:s28] =	ssyncadd.s32 $0xFFFFEC00  }
0x41: {  	[tilespmem:s18], [sflag:$0x3] =	stream.indirect.gather [hbm4b:s2+s14], $0x28, s30, s14, $0xb8;
	[tilespmem:$0x102C0] =	vst v63  }
0x42: {  	_ =	swait.ge [sflag:s29], $0x1400  }
0x43: {  	[sflag:s29] =	ssyncset.done $0x0  }
0x44: {  	s17 =	simm.s32 $0x800;
	s19 =	simm.s32 $0x380;
	[sflag:s29] =	ssyncadd.s32 $0xFFFFEC00  }
.LBB2_2:
0x45: {  	[tilespmem:s20], [sflag:$0x4] =	stream.indirect.gather [hbm4b:s2+s14], $0x28, s19, s14, $0xb8;
	[tilespmem:$0x102C0] =	vst v63  }
0x46: {  	s19 =	smov.u32 s17  }
0x47: {  	p0 =	sne.s32 s17, $0x9000;
	s17 =	sadd.s32 $0x800, s17;
	_ =	swait.ge [sflag:s21], $0x1400  }
0x48: {  	s19 =	sshra.s32 s19, $0x2;
	[sflag:s21] =	ssyncset.done $0x0  }
0x49: {  	s30 =	sadd.s32 $0x2800, s19;
	[sflag:s21] =	ssyncadd.s32 $0xFFFFEC00  }
0x4a: {  	[spmem:s3] =	stream.indirect.scatter.add.f32 [tilespmem:s15], [sflag:$0x5], $0x28, s30, s14, $0xb8;
	[tilespmem:$0x102C0] =	vst v63  }
0x4b: {  	_ =	swait.ge [sflag:s22], $0x1400  }
0x4c: {  	[sflag:s22] =	ssyncset.done $0x0  }
0x4d: {  	s30 =	sadd.s32 $0x2880, s19;
	[sflag:s22] =	ssyncadd.s32 $0xFFFFEC00  }
0x4e: {  	[spmem:s3] =	stream.indirect.scatter.add.f32 [tilespmem:s16], [sflag:$0x6], $0x28, s30, s14, $0xb8;
	[tilespmem:$0x102C0] =	vst v63  }
0x4f: {  	_ =	swait.ge [sflag:s23], $0x1400  }
0x50: {  	[sflag:s23] =	ssyncset.done $0x0  }
0x51: {  	s30 =	sadd.s32 $0x2900, s19;
	[sflag:s23] =	ssyncadd.s32 $0xFFFFEC00  }
0x52: {  	[spmem:s3] =	stream.indirect.scatter.add.f32 [tilespmem:s18], [sflag:$0x7], $0x28, s30, s14, $0xb8;
	[tilespmem:$0x102C0] =	vst v63  }
0x53: {  	_ =	swait.ge [sflag:s24], $0x1400  }
0x54: {  	[sflag:s24] =	ssyncset.done $0x0  }
0x55: {  	s30 =	sadd.s32 $0x2980, s19;
	[sflag:s24] =	ssyncadd.s32 $0xFFFFEC00  }
0x56: {  	[spmem:s3] =	stream.indirect.scatter.add.f32 [tilespmem:s20], [sflag:$0x8], $0x28, s30, s14, $0xb8;
	[tilespmem:$0x102C0] =	vst v63  }
0x57: {  	_ =	swait.ge [sflag:s25], $0x1400  }
0x58: {  	[sflag:s25] =	ssyncset.done $0x0  }
0x59: {  	s30 =	sadd.s32 $0x200, s19;
	[sflag:s25] =	ssyncadd.s32 $0xFFFFEC00  }
0x5a: {  	[tilespmem:s15], [sflag:$0x1] =	stream.indirect.gather [hbm4b:s2+s14], $0x28, s30, s14, $0xb8;
	[tilespmem:$0x102C0] =	vst v63  }
0x5b: {  	_ =	swait.ge [sflag:s26], $0x1400  }
0x5c: {  	[sflag:s26] =	ssyncset.done $0x0  }
0x5d: {  	s30 =	sadd.s32 $0x280, s19;
	[sflag:s26] =	ssyncadd.s32 $0xFFFFEC00  }
0x5e: {  	[tilespmem:s16], [sflag:$0x2] =	stream.indirect.gather [hbm4b:s2+s14], $0x28, s30, s14, $0xb8;
	[tilespmem:$0x102C0] =	vst v63  }
0x5f: {  	_ =	swait.ge [sflag:s28], $0x1400  }
0x60: {  	[sflag:s28] =	ssyncset.done $0x0  }
.Ltmp0:
0x61: {  	s30 =	sadd.s32 $0x300, s19;
	[sflag:s28] =	ssyncadd.s32 $0xFFFFEC00;
	(pc) =	sbr.rel @p0 .LBB2_2-.Ltmp0, $4  }
0x62: {  	[tilespmem:s18], [sflag:$0x3] =	stream.indirect.gather [hbm4b:s2+s14], $0x28, s30, s14, $0xb8;
	[tilespmem:$0x102C0] =	vst v63  }
0x63: {  	_ =	swait.ge [sflag:s29], $0x1400  }
0x64: {  	[sflag:s29] =	ssyncset.done $0x0  }
0x65: {  	s19 =	sadd.s32 $0x380, s19;
	[sflag:s29] =	ssyncadd.s32 $0xFFFFEC00  }
0x66: {  	[tilespmem:s20], [sflag:$0x4] =	stream.indirect.gather [hbm4b:s2+s14], $0x28, s19, s14, $0xb8;
	[tilespmem:$0x102C0] =	vst v63  }
0x67: {  	_ =	swait.ge [sflag:s21], $0x1400  }
0x68: {  	[sflag:s21] =	ssyncset.done $0x0  }
0x69: {  	s17 =	simm.s32 $0x4E00;
	[sflag:s21] =	ssyncadd.s32 $0xFFFFEC00  }
0x6a: {  	[spmem:s3] =	stream.indirect.scatter.add.f32 [tilespmem:s15], [sflag:$0x5], $0x28, s17, s14, $0xb8;
	[tilespmem:$0x102C0] =	vst v63  }
0x6b: {  	_ =	swait.ge [sflag:s22], $0x1400  }
0x6c: {  	[sflag:s22] =	ssyncset.done $0x0  }
0x6d: {  	[sflag:s22] =	ssyncadd.s32 $0xFFFFEC00  }
0x6e: {  	[spmem:s3] =	stream.indirect.scatter.add.f32 [tilespmem:s16], [sflag:$0x6], $0x28, s31, s14, $0xb8;
	[tilespmem:$0x102C0] =	vst v63  }
0x6f: {  	_ =	swait.ge [sflag:s23], $0x1400  }
0x70: {  	[sflag:s23] =	ssyncset.done $0x0  }
0x71: {  	[sflag:s23] =	ssyncadd.s32 $0xFFFFEC00  }
0x72: {  	[spmem:s3] =	stream.indirect.scatter.add.f32 [tilespmem:s18], [sflag:$0x7], $0x28, s1, s14, $0xb8;
	[tilespmem:$0x102C0] =	vst v63  }
0x73: {  	_ =	swait.ge [sflag:s24], $0x1400  }
0x74: {  	[sflag:s24] =	ssyncset.done $0x0  }
0x75: {  	[sflag:s24] =	ssyncadd.s32 $0xFFFFEC00  }
0x76: {  	[spmem:s3] =	stream.indirect.scatter.add.f32 [tilespmem:s20], [sflag:$0x8], $0x28, s0, s14, $0xb8;
	[tilespmem:$0x102C0] =	vst v63  }
0x77: {  	_ =	swait.ge [sflag:s25], $0x1400  }
0x78: {  	[sflag:s25] =	ssyncset.done $0x0  }
0x79: {  	[sflag:s25] =	ssyncadd.s32 $0xFFFFEC00  }
0x7a: {  	_ =	swait.ge [sflag:s26], $0x1400  }
0x7b: {  	[sflag:s26] =	ssyncset.done $0x0  }
0x7c: {  	[sflag:s26] =	ssyncadd.s32 $0xFFFFEC00  }
0x7d: {  	_ =	swait.ge [sflag:s28], $0x1400  }
0x7e: {  	[sflag:s28] =	ssyncset.done $0x0  }
0x7f: {  	[sflag:s28] =	ssyncadd.s32 $0xFFFFEC00  }
0x80: {  	_ =	swait.ge [sflag:s29], $0x1400  }
0x81: {  	s13 =	sadd.s32 $0x1, s13;
	[sflag:s29] =	ssyncset.done $0x0  }
0x82: {  	p0 =	sne.s32 s13, s10;
	[sflag:s29] =	ssyncadd.s32 $0xFFFFEC00  }
.Ltmp1:
0x83: {  	[bflag:$0x0] =	sbarrier.arrive $0xFFFF;
	(pc) =	sbr.rel @p0 .LBB2_1-.Ltmp1, $4  }
0x84: {  	[hbm:s9], [sflag:s6] =	dma.local [spmem:s11], $0xC58  }
0x85: {  	_ =	swait.ge [sflag:s12], $0xC58  }
0x86: {  	[sflag:s12] =	ssyncset.done $0x0  }
0x87: {  	[sflag:s12] =	ssyncadd.s32 $0xFFFFF3A8  }
0x88: {  	_ =	sfence.sel $0x180000  }
0x89: {  	[bflag:$0x0] =	sbarrier.arrive $0xFFFF  }
0x8a: {  	_ =	strace $0x9000004D  }
0x8b: {  	s0 =	stileid.u32;
	[bflag:$0x2] =	sbarrier.arrive $0xFFFF  }
0x8c: {  	p0 =	sne.s32 s0, $0x0;
	s0 =	rddreg [dreg:$0x3]  }
0x8d: {  	s0 =	sadd.s32 @!p0 $0x100000, s0  }
0x8e: {  	[sflag:s0] =	ssyncadd.tile.s32 @!p0 $0x1;
	_ =	shalt  }
.Lfunc_end2:
_tile_overlayer_lowered:
.L_overlay_start_2:
0x8f: {  	(tag) =	ssettag $0x2  }
0x90: {  	s0 =	rddreg [dreg:$0x0];
	s2 =	stileid.u32  }
0x91: {  	s1 =	rddreg [dreg:$0x1];
	p0 =	sne.s32 s2, $0x0  }
0x92: {  	s3 =	rddreg [dreg:$0x2];
	[bflag:$0x3] =	sbarrier.arrive $0xFFFF;
	s2 =	simm.s32 @!p0 $0x1C09  }
0x93: {  	[timem:s3], [sflag:s2] =	dma.local @!p0 [hbm:s0], s1  }
0x94: {  	s0 =	simm.s32 @!p0 $0x9  }
0x95: {  	_ =	swait.ge @!p0 [sflag:s0], s1  }
0x96: {  	s1 =	ssub.s32 @!p0 $0x0, s1;
	[sflag:s0] =	ssyncset.done @!p0 $0x0  }
0x97: {  	[sflag:s0] =	ssyncadd.s32 @!p0 s1  }
0x98: {  	[bflag:$0x3] =	sbarrier.arrive $0xFFFF  }
0x99: {  	_ =	shalt  }

// kernel: kernel.8.cloned.1.call-start
scs
__scs_entry_jumppad:
0x0: {  	(pc) =	sbr.rel $0x88, $3  }
0x1: {  	(tag) =	ssettag $0x0;
	lr =	simm.s32 $0x1  }
0x2: {  	[smem:$0x3F9D] =	sst lr;
	_ =	strace $0xD0000000  }
0x3: {  	_ = 	snop  }
0x4: {  	_ = 	snop  }
0x5: {  	_ = 	snop  }
0x6: {  	_ = 	snop  }
0x7: {  	_ = 	snop  }
__scs_overlays_trampoline_lowered:
0x8: {  	[smem:$0x3FAC] =	sst s0  }
0x9: {  	[smem:$0x3FAD] =	sst s1  }
0xa: {  	[smem:$0x3FAE] =	sst s2  }
0xb: {  	[smem:$0x3FAF] =	sst s3  }
0xc: {  	[smem:$0x3FB0] =	sst s4  }
0xd: {  	[smem:$0x3FB1] =	sst s5  }
0xe: {  	[smem:$0x3FB2] =	sst s6  }
0xf: {  	[smem:$0x3FB3] =	sst s7  }
0x10: {  	[smem:$0x3FB4] =	sst s8  }
0x11: {  	[smem:$0x3FB5] =	sst s9;
	s0 =	simm.s32 @!p0 $0x0  }
0x12: {  	s1 =	sld [smem:$0x3F9B];
	s0 =	simm.s32 @p0 $0x1  }
0x13: {  	[smem:$0x3FB6] =	sst s0;
	s0 =	simm.s32 @!p1 $0x0  }
0x14: {  	s2 =	sld [smem:$0x3F9A];
	s0 =	simm.s32 @p1 $0x1  }
0x15: {  	[smem:$0x3FB7] =	sst s0;
	s0 =	simm.s32 @!p2 $0x0  }
0x16: {  	s3 =	sld [smem:$0x3FDB];
	s0 =	simm.s32 @p2 $0x1  }
0x17: {  	s4 =	simm.s32 $0x1BF5;
	[smem:$0x3FB9] =	sst s0  }
0x18: {  	s0 =	sld [smem:$0x3F9C];
	_ =	swait.ge [sflag:s4], $0x0  }
0x19: {  	s7 =	sld [smem:$0x3F9D]  }
0x1a: {  	s8 =	sadd.s32 $0xFFFFE003, lr  }
0x1b: {  	s9 =	sadd.s32 $0xFFFFFEF7, lr;
	s5 =	simm.s32 $0xFFFFFFFF;
	p2 =	slt.u32 s8, $0xFFFFF086  }
0x1c: {  	p1 =	slt.u32 s9, $0xF7A;
	s5 =	simm.s32 @!p2 $0x0  }
0x1d: {  	s5 =	simm.s32 @p1 $0x1;
	p0 =	seq.s32 s7, s2  }
0x1e: {  	s7 =	smul.u32 @!p0 $0xF7A, s2;
	p2 =	seq.s32 @!p0 s5, $0x0  }
0x1f: {  	s9 =	smul.u32 $0xF7A, s1;
	s8 =	simm.s32 @!p0 $0x1BF5;
	p2 =	por !p2, p0  }
0x20: {  	[sflag:s8] =	ssyncset.s32 @!p0 $0xFFFFF086;
	s6 =	sadd.s32 @!p0 s3, s7;
	s7 =	simm.s32 @!p0 $0x108  }
0x21: {  	s3 =	sadd.s32 s3, s9;
	s6 =	sadd.s32 @!p0 $0x88, s6;
	s7 =	simm.s32 @p2 $0x1082  }
0x22: {  	[simem:s7], [sflag:s8] =	dma.local @!p0 [hbm:s6], $0xF7A  }
0x23: {  	s9 =	sor.u32 $0xD0000000, s2;
	s6 =	simm.s32 $0x108;
	_ =	swait.ge @!p0 [sflag:s8], $0x0  }
0x24: {  	s3 =	sadd.s32 $0x88, s3;
	s6 =	simm.s32 @!p1 $0x1082;
	[sflag:s4] =	ssyncset.s32 $0xFFFFF086  }
0x25: {  	[simem:s6], [sflag:s4] =	dma.local [hbm:s3], $0xF7A  }
0x26: {  	[smem:$0x3F9D] =	sst s1;
	(tag) =	ssettag s2;
	_ =	strace s9  }
0x27: {  	s1 =	sld [smem:$0x3FAD]  }
0x28: {  	s2 =	sld [smem:$0x3FAE]  }
0x29: {  	s4 =	sld [smem:$0x3FB0]  }
0x2a: {  	p0 =	seq.s32 s5, $0x0;
	s5 =	sld [smem:$0x3FB1]  }
0x2b: {  	s6 =	sld [smem:$0x3FB2]  }
0x2c: {  	s7 =	sld [smem:$0x3FB3]  }
0x2d: {  	s3 =	simm.s32 $0x108;
	s8 =	sld [smem:$0x3FB4]  }
0x2e: {  	s3 =	simm.s32 @!p0 $0x1082;
	s9 =	sld [smem:$0x3FB5]  }
0x2f: {  	lr =	sadd.s32 s0, s3;
	s0 =	sld [smem:$0x3FAC]  }
0x30: {  	s3 =	sld [smem:$0x3FAF]  }
0x31: {  	[smem:$0x3FB8] =	sst s10  }
0x32: {  	s10 =	sld [smem:$0x3FB6];
	_ =	sdelay $0x3  }
0x33: {  	p0 =	seq.s32 s10, $0x1;
	s10 =	sld [smem:$0x3FB8];
	_ =	sdelay $0x3  }
0x34: {  	[smem:$0x3FB8] =	sst s10  }
0x35: {  	s10 =	sld [smem:$0x3FB7];
	_ =	sdelay $0x3  }
0x36: {  	p1 =	seq.s32 s10, $0x1;
	s10 =	sld [smem:$0x3FB8];
	_ =	sdelay $0x3  }
0x37: {  	[smem:$0x3FB8] =	sst s10  }
0x38: {  	s10 =	sld [smem:$0x3FB9]  }
0x39: {  	_ = 	snop;
	(pc) =	sbr.ind lr, $3  }
0x3a: {  	_ = 	snop  }
0x3b: {  	_ = 	snop  }
0x3c: {  	p2 =	seq.s32 s10, $0x1;
	s10 =	sld [smem:$0x3FB8]  }
0x3d: {  	_ =	shalt  }
0x3e: {  	_ =	shalt  }
0x3f: {  	_ =	shalt  }
0x40: {  	_ =	shalt  }
0x41: {  	_ =	shalt  }
0x42: {  	_ =	shalt  }
0x43: {  	_ =	shalt  }
0x44: {  	_ =	shalt  }
0x45: {  	_ =	shalt  }
0x46: {  	_ =	shalt  }
0x47: {  	_ =	shalt  }
0x48: {  	_ =	shalt  }
0x49: {  	_ =	shalt  }
0x4a: {  	_ =	shalt  }
0x4b: {  	_ =	shalt  }
0x4c: {  	_ =	shalt  }
0x4d: {  	_ =	shalt  }
0x4e: {  	_ =	shalt  }
0x4f: {  	_ =	shalt  }
0x50: {  	_ =	shalt  }
0x51: {  	_ =	shalt  }
0x52: {  	_ =	shalt  }
0x53: {  	_ =	shalt  }
0x54: {  	_ =	shalt  }
0x55: {  	_ =	shalt  }
0x56: {  	_ =	shalt  }
0x57: {  	_ =	shalt  }
0x58: {  	_ =	shalt  }
0x59: {  	_ =	shalt  }
0x5a: {  	_ =	shalt  }
0x5b: {  	_ =	shalt  }
0x5c: {  	_ =	shalt  }
0x5d: {  	_ =	shalt  }
0x5e: {  	_ =	shalt  }
0x5f: {  	_ =	shalt  }
0x60: {  	_ =	shalt  }
0x61: {  	_ =	shalt  }
0x62: {  	_ =	shalt  }
0x63: {  	_ =	shalt  }
0x64: {  	_ =	shalt  }
0x65: {  	_ =	shalt  }
0x66: {  	_ =	shalt  }
0x67: {  	_ =	shalt  }
0x68: {  	_ =	shalt  }
0x69: {  	_ =	shalt  }
0x6a: {  	_ =	shalt  }
0x6b: {  	_ =	shalt  }
0x6c: {  	_ =	shalt  }
0x6d: {  	_ =	shalt  }
0x6e: {  	_ =	shalt  }
0x6f: {  	_ =	shalt  }
0x70: {  	_ =	shalt  }
0x71: {  	_ =	shalt  }
0x72: {  	_ =	shalt  }
0x73: {  	_ =	shalt  }
0x74: {  	_ =	shalt  }
0x75: {  	_ =	shalt  }
0x76: {  	_ =	shalt  }
0x77: {  	_ =	shalt  }
0x78: {  	_ =	shalt  }
0x79: {  	_ =	shalt  }
0x7a: {  	_ =	shalt  }
0x7b: {  	_ =	shalt  }
0x7c: {  	_ =	shalt  }
0x7d: {  	_ =	shalt  }
0x7e: {  	_ =	shalt  }
0x7f: {  	_ =	shalt  }
0x80: {  	_ =	shalt  }
0x81: {  	_ =	shalt  }
0x82: {  	_ =	shalt  }
0x83: {  	_ =	shalt  }
0x84: {  	_ =	shalt  }
0x85: {  	_ =	shalt  }
0x86: {  	_ =	shalt  }
0x87: {  	_ =	shalt  }
.Lfunc_end0:
.L_simem_size_0:
called_computation_lowered:
.L_overlay_start_0:
0x88: {  	s2 =	sld [smem:$0x3FD9]  }
0x89: {  	s3 =	sld [smem:$0x3FFE];
	_ =	sdelay $0x1  }
0x8a: {  	s1 =	srdreg.scid  }
0x8b: {  	s0 =	sand.u32 $0x1, s1  }
0x8c: {  	s17 =	sshll.u32 s0, $0xA;
	s2 =	sadd.s32 s3, s2  }
0x8d: {  	s2 =	sadd.s32 s2, s17  }
0x8e: {  	[smem:$0x3FC4] =	sst s2  }
0x8f: {  	_ = 	snop  }
0x90: {  	s2 =	sld [smem:$0x3FD0];
	(tm) =	ssettm $0x1  }
0x91: {  	s18 =	sld [smem:$0x3FFB];
	_ =	sdelay $0x3  }
0x92: {  	_ =	strace s18  }
0x93: {  	s3 =	sld [smem:$0x3FFC];
	_ =	sdelay $0x3  }
0x94: {  	_ =	strace s3  }
0x95: {  	s3 =	sld [smem:$0x3FFD];
	_ =	sdelay $0x3  }
0x96: {  	_ =	strace s3  }
0x97: {  	_ =	strace $0x8FFFFFFF  }
0x98: {  	s19 =	sld [smem:$0x3FDB];
	_ =	sdelay $0x1  }
0x99: {  	s4 =	simm.s32 $_scs_section_size  }
0x9a: {  	s5 =	simm.s32 $_size__tile_overlayer_lowered;
	s6 =	simm.s32 $_tile_overlayer_lowered  }
0x9b: {  	s22 =	simm.s32 $0x1BFF;
	s21 =	sshll.u32 s6, $0x1;
	s3 =	sadd.s32 s4, s19  }
0x9c: {  	s7 =	simm.s32 $0x0;
	s20 =	sshll.u32 s5, $0x1;
	s5 =	sadd.s32 s21, s3  }
0x9d: {  	[timem:s7], [sflag:s22] =	dma.local [hbm:s5], s20  }
0x9e: {  	_ =	swait.ge [sflag:s22], s20  }
0x9f: {  	s4 =	ssub.s32 $0x0, s20;
	[sflag:s22] =	ssyncset.done $0x0  }
0xa0: {  	[sflag:s22] =	ssyncadd.s32 s4;
	_ =	sdelay $0x1  }
0xa1: {  	s23 =	simm.s32 $0x1B8B  }
0xa2: {  	_ =	swait.ge [sflag:s23], $0x1  }
0xa3: {  	[sflag:s23] =	ssyncset.done $0x0  }
0xa4: {  	s25 =	simm.s32 $0x1B8E;
	s24 =	sld [smem:$0x3FFE];
	[sflag:s23] =	ssyncadd.s32 $0xFFFFFFFF  }
0xa5: {  	s26 =	simm.s32 $execute0_lowered;
	[smem:$0x3FD2] =	sst s25  }
0xa6: {  	s5 =	sshll.u32 s26, $0x1;
	_ =	strace $0x80000046;
	[dreg:$0x1] =	wrdreg $0xFFFFFFFF  }
0xa7: {  	s28 =	simm.s32 $_size_execute0_lowered;
	s3 =	sadd.s32 s3, s5;
	[dreg:$0x0] =	wrdreg $0x0  }
0xa8: {  	s5 =	sshll.u32 s28, $0x1;
	[dreg:$0x2] =	wrdreg s3  }
0xa9: {  	[dreg:$0x3] =	wrdreg s5  }
0xaa: {  	[dreg:$0x4] =	wrdreg $0xC0  }
0xab: {  	_ =	task [dreg:s7], $0x5FFFF  }
0xac: {  	[dreg:$0x1] =	wrdreg $0xFFFFFFFF  }
0xad: {  	[dreg:$0x0] =	wrdreg $0x60  }
0xae: {  	[dreg:$0x2] =	wrdreg s24  }
0xaf: {  	[dreg:$0x3] =	wrdreg s2  }
0xb0: {  	[dreg:$0x4] =	wrdreg $0x2C000  }
0xb1: {  	[dreg:$0x5] =	wrdreg $0x9  }
0xb2: {  	_ =	task.clear_ibuf [dreg:s7], $0x6FFFF;
	_ =	strace $0x90000046  }
0xb3: {  	s29 =	simm.s32 $0x9;
	_ =	strace $0x80000048  }
0xb4: {  	_ =	swait.ge [sflag:s29], $0x1  }
0xb5: {  	[sflag:s29] =	ssyncadd.s32 $0xFFFFFFFF  }
0xb6: {  	_ =	strace $0x90000048  }
0xb7: {  	_ =	sfence  }
0xb8: {  	s30 =	sld [smem:$0x0];
	_ =	sdelay $0x2  }
0xb9: {  	s31 =	sshll.u32 s1, $0xD;
	s1 =	sshrl.u32 s1, $0x2  }
0xba: {  	s3 =	sand.u32 $0x4000, s31;
	s1 =	sadd.s32 s1, s30  }
0xbb: {  	s0 =	sor.u32 s3, s0;
	s1 =	sshll.u32 s1, $0x11  }
0xbc: {  	s0 =	sor.u32 s1, s0  }
0xbd: {  	s0 =	sadd.s32 $0x8F2B, s0  }
0xbe: {  	[sflag:s0] =	ssyncadd.remote.s32 $0x1  }
0xbf: {  	_ =	sfence.sel $0xFFFF  }
0xc0: {  	[dreg:$0x0] =	wrdreg $0xFFFFFFFF;
	(pc) =	sbr.abs _section_cstart, $3  }
0xc1: {  	[dreg:$0x1] =	wrdreg $0xFFFFFFFF  }
0xc2: {  	_ =	task.clear_ibuf [dreg:s7], $0x2FFFF;
	_ =	strace $0x9FFFFFFF  }
0xc3: {  	(tm) =	ssettm $0x7FFFFFFF  }
tec
execute0_lowered:
.L_overlay_start_1:
0x0: {  	(tag) =	ssettag $0x1  }
0x1: {  	s5 =	rddreg [dreg:$0x0]  }
0x2: {  	s8 =	rddreg [dreg:$0x1]  }
0x3: {  	s0 =	srdreg.scid;
	s2 =	rddreg [dreg:$0x2]  }
0x4: {  	s3 =	simm.s32 $0x0;
	s13 =	simm.s32 $0x80;
	s14 =	simm.s32 $0x0  }
0x5: {  	s4 =	sand.u32 $0x1, s0;
	s0 =	stileid.u32;
	[smem:$0x7FF] =	sst s3  }
0x6: {  	s1 =	sshll.u32 s4, $0x4;
	s7 =	smul.u32 $0x13C0, s0;
	s9 =	ssub.s32 $0x2, s4  }
0x7: {  	s10 =	smul.u32 $0x13C00, s4;
	s4 =	sadd.s32 $0x15800, s5;
	s31 =	sshll.u32 s0, $0x6  }
0x8: {  	s6 =	sor.u32 s0, s1;
	s1 =	rddreg [dreg:$0x3];
	_ =	strace $0x80000047  }
0x9: {  	s28 =	sshrl.u32 s9, $0x1;
	s6 =	smul.u32 $0x500, s6;
	s29 =	sadd.s32 s7, s10  }
0xa: {  	s9 =	ssub.s32 s9, s28;
	s30 =	sadd.s32 s7, s2;
	s12 =	sshrl.u32 s29, $0x3  }
0xb: {  	s9 =	smax.u32 s9, $0x1;
	s10 =	sshrl.u32 s30, $0x3;
	s11 =	sadd.s32 s6, s5  }
0xc: {  	s5 =	sadd.s32 $0x15400, s5;
	s6 =	sor.u32 $0x1C01, s31;
	s8 =	sadd.s32 s8, s12  }
0xd: {  	s12 =	simm.s32 $0x2800;
	s7 =	sadd.s32 $0xB400, s11;
	s11 =	simm.s32 $0x1  }
.LBB2_1:
0xe: {  	[spmem:s10], [sflag:s6] =	dma.local [hbm:s5], $0x278  }
0xf: {  	_ =	swait.ge [sflag:s11], $0x278  }
0x10: {  	[sflag:s11] =	ssyncset.done $0x0  }
0x11: {  	[sflag:s11] =	ssyncadd.s32 $0xFFFFFD88  }
0x12: {  	[tilespmem:s12], [sflag:$0x1] =	stream.linear.gather [hbm4b:s4+s3], $0x400, $0x38;
	[tilespmem:$0x3FC0] =	vst v63  }
0x13: {  	_ =	swait.ge [sflag:s11], $0x400  }
0x14: {  	[sflag:s11] =	ssyncset.done $0x0  }
0x15: {  	[sflag:s11] =	ssyncadd.s32 $0xFFFFFC00  }
0x16: {  	[tilespmem:s3], [sflag:$0x1] =	stream.linear.gather [hbm4b:s7+s3], $0x2800, $0x38;
	[tilespmem:$0x3FC0] =	vst v63  }
0x17: {  	_ =	swait.ge [sflag:s11], $0x2800  }
0x18: {  	[sflag:s11] =	ssyncset.done $0x0  }
0x19: {  	[sflag:s11] =	ssyncadd.s32 $0xFFFFD800  }
0x1a: {  	s15 =	simm.s32 $0x0;
	[bflag:$0x0] =	sbarrier.arrive $0xFFFF  }
0x1b: {  	[spmem:s2] =	stream.indirect.scatter.add.f32 [tilespmem:s12], [sflag:$0x1], $0x8, s15, s13, $0xb8;
	[tilespmem:$0x3FC0] =	vst v63  }
0x1c: {  	_ =	swait.ge [sflag:s11], $0x400  }
0x1d: {  	s15 =	simm.s32 $0x200;
	[sflag:s11] =	ssyncset.done $0x0  }
.LBB2_2:
0x1e: {  	s16 =	sshra.s32 s15, $0x2;
	[sflag:s11] =	ssyncadd.s32 $0xFFFFFC00;
	p0 =	sne.s32 s15, $0x9E00  }
0x1f: {  	[spmem:s2] =	stream.indirect.scatter.add.f32 [tilespmem:s12], [sflag:$0x1], $0x8, s16, s13, $0xb8;
	[tilespmem:$0x3FC0] =	vst v63  }
.Ltmp0:
0x20: {  	_ = 	snop;
	(pc) =	sbr.rel @p0 .LBB2_2-.Ltmp0, $4  }
0x21: {  	_ = 	snop  }
0x22: {  	s15 =	sadd.s32 $0x200, s15  }
0x23: {  	_ =	swait.ge [sflag:s11], $0x400  }
0x24: {  	[sflag:s11] =	ssyncset.done $0x0  }
0x25: {  	s14 =	sadd.s32 $0x1, s14  }
0x26: {  	[sflag:s11] =	ssyncadd.s32 $0xFFFFFC00;
	p0 =	sne.s32 s14, s9  }
.Ltmp1:
0x27: {  	[bflag:$0x0] =	sbarrier.arrive $0xFFFF;
	(pc) =	sbr.rel @p0 .LBB2_1-.Ltmp1, $4  }
0x28: {  	[hbm:s8], [sflag:s6] =	dma.local [spmem:s10], $0x278  }
0x29: {  	_ =	swait.ge [sflag:s11], $0x278  }
0x2a: {  	[sflag:s11] =	ssyncset.done $0x0  }
0x2b: {  	[sflag:s11] =	ssyncadd.s32 $0xFFFFFD88  }
0x2c: {  	_ =	sfence.sel $0x180000  }
0x2d: {  	[bflag:$0x0] =	sbarrier.arrive $0xFFFF  }
0x2e: {  	p0 =	sne.s32 s0, $0x0;
	_ =	strace $0x90000047  }
0x2f: {  	s0 =	sadd.s32 @!p0 $0x100000, s1;
	[bflag:$0x2] =	sbarrier.arrive $0xFFFF  }
0x30: {  	[sflag:s0] =	ssyncadd.tile.s32 @!p0 $0x1;
	_ =	shalt  }
.Lfunc_end2:
_tile_overlayer_lowered:
.L_overlay_start_2:
0x31: {  	(tag) =	ssettag $0x2  }
0x32: {  	s0 =	rddreg [dreg:$0x0];
	s2 =	stileid.u32  }
0x33: {  	s1 =	rddreg [dreg:$0x1];
	p0 =	sne.s32 s2, $0x0  }
0x34: {  	s3 =	rddreg [dreg:$0x2];
	[bflag:$0x3] =	sbarrier.arrive $0xFFFF;
	s2 =	simm.s32 @!p0 $0x1C01  }
0x35: {  	[timem:s3], [sflag:s2] =	dma.local @!p0 [hbm:s0], s1  }
0x36: {  	s0 =	simm.s32 @!p0 $0x1  }
0x37: {  	_ =	swait.ge @!p0 [sflag:s0], s1  }
0x38: {  	s1 =	ssub.s32 @!p0 $0x0, s1;
	[sflag:s0] =	ssyncset.done @!p0 $0x0  }
0x39: {  	[sflag:s0] =	ssyncadd.s32 @!p0 s1  }
0x3a: {  	[bflag:$0x3] =	sbarrier.arrive $0xFFFF  }
0x3b: {  	_ =	shalt  }

</sc_bundles>
